<compile_context>
chip_gen: v7x
topology: tpu7x:2x2x1
jax: 0.10.2.dev20260603
libtpu: 0.0.44.dev20260713+nightly
codegen_flags: <defaults>
</compile_context>

<pallas_src>
import functools

import jax
import jax.numpy as jnp
from jax import lax
from jax.experimental import pallas as pl
from jax.experimental.pallas import tpu as pltpu
from jax.experimental.pallas import tpu_sc as plsc

B = 8
N = 2048
NP = 512
NS = 32
TD = 80
ROWS = B * NP * NS
GROUPS = B * NP
EPS = 1e-5
BW = 0.1

_f32 = jnp.float32
_i32 = jnp.int32


def _density_body(xt_ref, x_ref, out_ref):
    a = xt_ref[0]
    bm = x_ref[0]
    g = jnp.dot(a, bm, preferred_element_type=_f32)
    srcn = jnp.sum(a * a, axis=-1, keepdims=True)
    dstn = jnp.sum(bm * bm, axis=0, keepdims=True)
    sq = -2.0 * g + srcn + dstn
    e = jnp.exp(sq * (-2.0 * BW * BW))
    dens = jnp.sum(e, axis=-1, keepdims=True) * (1.0 / (2.5 * BW) / N)
    out_ref[0] = 1.0 / dens


def _density(xyz_t, xyz):
    RB = 256
    return pl.pallas_call(
        _density_body,
        grid=(B, N // RB),
        in_specs=[
            pl.BlockSpec((1, RB, 3), lambda b, r: (b, r, 0)),
            pl.BlockSpec((1, 3, N), lambda b, r: (b, 0, 0)),
        ],
        out_specs=pl.BlockSpec((1, RB, 1), lambda b, r: (b, r, 0)),
        out_shape=jax.ShapeDtypeStruct((B, N, 1), _f32),
    )(xyz_t, xyz)


def _fps_body(x_ref, out_ref):
    x3 = x_ref[...]
    lane = lax.broadcasted_iota(_i32, (1, N), 1)
    lane_b = lax.broadcasted_iota(_i32, (B, N), 1)
    lane_p = lax.broadcasted_iota(_i32, (1, 1, NP), 2)
    out_ref[...] = jnp.zeros((3, B, NP), _f32)

    def body(i, st):
        dist, far = st
        oh = (lane_b == far).astype(_f32)
        c = jnp.sum(x3 * oh[None], axis=2, keepdims=True)
        d = jnp.sum((x3 - c) ** 2, axis=0)
        dist = jnp.minimum(dist, d)
        ohp = (lane_p == i).astype(_f32)
        out_ref[...] += c * ohp
        m = jnp.max(dist, axis=-1, keepdims=True)
        far = jnp.min(jnp.where(dist == m, lane_b, N), axis=-1, keepdims=True)
        return dist, far

    dist0 = jnp.full((B, N), 1e10, _f32)
    far0 = jnp.zeros((B, 1), _i32)
    lax.fori_loop(0, NP, body, (dist0, far0))


def _fps(xyz_bt):
    return pl.pallas_call(
        _fps_body,
        out_shape=jax.ShapeDtypeStruct((3, B, NP), _f32),
    )(xyz_bt)


def _knn_body(q_ref, x_ref, out_ref):
    b = pl.program_id(0)
    a = q_ref[0]
    bm = x_ref[0]
    g = jnp.dot(a, bm, preferred_element_type=_f32)
    srcn = jnp.sum(a * a, axis=-1, keepdims=True)
    dstn = jnp.sum(bm * bm, axis=0, keepdims=True)
    sq = -2.0 * g + srcn + dstn
    lane = lax.broadcasted_iota(_i32, sq.shape, 1)
    cols = []
    for _ in range(NS):
        m = jnp.min(sq, axis=-1, keepdims=True)
        sel = jnp.min(jnp.where(sq == m, lane, N), axis=-1, keepdims=True)
        cols.append(sel)
        sq = jnp.where(lane == sel, jnp.inf, sq)
    out_ref[0] = jnp.concatenate(cols, axis=1) + b * N


def _knn(new_xyz_q, xyz):
    QB = 128
    return pl.pallas_call(
        _knn_body,
        grid=(B, NP // QB),
        in_specs=[
            pl.BlockSpec((1, QB, 3), lambda b, q: (b, q, 0)),
            pl.BlockSpec((1, 3, N), lambda b, q: (b, 0, 0)),
        ],
        out_specs=pl.BlockSpec((1, QB, NS), lambda b, q: (b, q, 0)),
        out_shape=jax.ShapeDtypeStruct((B, NP, NS), _i32),
    )(new_xyz_q, xyz)


_NW = 32
_PERW = ROWS // _NW
_CH = 128


def _gather_body(table_hbm, idx_hbm, out_hbm, idx_v, rows_v, sem):
    wid = lax.axis_index("s") * 2 + lax.axis_index("c")

    def chunk(i, carry):
        base = wid * _PERW + i * _CH
        pltpu.sync_copy(idx_hbm.at[pl.ds(base, _CH)], idx_v)
        pltpu.async_copy(table_hbm.at[idx_v], rows_v, sem).wait()
        pltpu.sync_copy(rows_v, out_hbm.at[pl.ds(base, _CH)])
        return carry

    lax.fori_loop(0, _PERW // _CH, chunk, 0)


def _sc_gather(table, gidx):
    mesh = plsc.VectorSubcoreMesh(core_axis_name="c", subcore_axis_name="s")
    f = functools.partial(
        pl.kernel,
        mesh=mesh,
        out_type=jax.ShapeDtypeStruct((ROWS, TD), _f32),
        scratch_types=[
            pltpu.VMEM((_CH,), _i32),
            pltpu.VMEM((_CH, TD), _f32),
            pltpu.SemaphoreType.DMA,
        ],
        compiler_params=pltpu.CompilerParams(use_tc_tiling_on_sc=False),
    )(_gather_body)
    return f(table, gidx)


def _acc_stats(ref, y):
    @pl.when(pl.program_id(0) == 0)
    def _():
        ref[...] = jnp.zeros_like(ref)
    ones = jnp.ones((1, y.shape[0]), _f32)
    ref[0:1, :] += jnp.dot(ones, y, preferred_element_type=_f32,
                           precision=lax.Precision.HIGHEST)
    ref[1:2, :] += jnp.dot(ones, y * y, preferred_element_type=_f32,
                           precision=lax.Precision.HIGHEST)


def _bn_relu(y, st_ref, g_ref, be_ref, n):
    m = st_ref[0:1, :] * (1.0 / n)
    v = st_ref[1:2, :] * (1.0 / n) - m * m
    scale = g_ref[...] / jnp.sqrt(v + EPS)
    shift = be_ref[...] - m * scale
    return jnp.maximum(y * scale + shift, 0.0)


RB = 2048


def _p1_body(g_ref, nxe_ref, w1p_ref, b1_ref, ww1_ref,
             y1_ref, wz1_ref, gd_ref, sy1_ref, sw1_ref):
    g = g_ref[...]
    nxe = nxe_ref[...]
    g2 = g - jnp.concatenate([nxe, jnp.zeros((RB, TD - 3), _f32)], axis=1)
    y1 = jnp.dot(g2, w1p_ref[...], preferred_element_type=_f32) + b1_ref[...]
    gxn = g2[:, 0:3]
    wz1 = jnp.dot(gxn, ww1_ref[...], preferred_element_type=_f32)
    y1_ref[...] = y1
    wz1_ref[...] = wz1
    gd_ref[...] = g2[:, 67:68]
    _acc_stats(sy1_ref, y1)
    _acc_stats(sw1_ref, wz1)


def _p1(gathered, nxe, w1p, b1, ww1):
    grid = (ROWS // RB,)
    row = lambda r: (r, 0)
    fixed = lambda r: (0, 0)
    return pl.pallas_call(
        _p1_body,
        grid=grid,
        in_specs=[
            pl.BlockSpec((RB, TD), row),
            pl.BlockSpec((RB, 3), row),
            pl.BlockSpec(w1p.shape, fixed),
            pl.BlockSpec(b1.shape, fixed),
            pl.BlockSpec(ww1.shape, fixed),
        ],
        out_specs=[
            pl.BlockSpec((RB, 64), row),
            pl.BlockSpec((RB, 8), row),
            pl.BlockSpec((RB, 1), row),
            pl.BlockSpec((8, 64), fixed),
            pl.BlockSpec((8, 8), fixed),
        ],
        out_shape=[
            jax.ShapeDtypeStruct((ROWS, 64), _f32),
            jax.ShapeDtypeStruct((ROWS, 8), _f32),
            jax.ShapeDtypeStruct((ROWS, 1), _f32),
            jax.ShapeDtypeStruct((8, 64), _f32),
            jax.ShapeDtypeStruct((8, 8), _f32),
        ],
    )(gathered, nxe, w1p, b1, ww1)


def _gmax_body(gd_ref, out_ref):
    gd = gd_ref[...]
    out_ref[...] = gd / jnp.max(gd, axis=-1, keepdims=True)


def _gmax(gd2):
    GB = 512
    return pl.pallas_call(
        _gmax_body,
        grid=(GROUPS // GB,),
        in_specs=[pl.BlockSpec((GB, NS), lambda r: (r, 0))],
        out_specs=pl.BlockSpec((GB, NS), lambda r: (r, 0)),
        out_shape=jax.ShapeDtypeStruct((GROUPS, NS), _f32),
    )(gd2)


def _p2_body(y1_ref, sy1_ref, g1_ref, be1_ref, w2_ref, b2_ref,
             wz1_ref, sw1_ref, wg1_ref, wbe1_ref, ww2_ref,
             gdn_ref, wd1_ref, db1_ref,
             y2_ref, wz2_ref, dz1_ref, sy2_ref, sw2_ref, sd1_ref):
    h1 = _bn_relu(y1_ref[...], sy1_ref, g1_ref, be1_ref, ROWS)
    y2 = jnp.dot(h1, w2_ref[...], preferred_element_type=_f32) + b2_ref[...]
    hw1 = _bn_relu(wz1_ref[...], sw1_ref, wg1_ref, wbe1_ref, ROWS)
    wz2 = jnp.dot(hw1, ww2_ref[...], preferred_element_type=_f32)
    dz1 = gdn_ref[...] * wd1_ref[...] + db1_ref[...]
    y2_ref[...] = y2
    wz2_ref[...] = wz2
    dz1_ref[...] = dz1
    _acc_stats(sy2_ref, y2)
    _acc_stats(sw2_ref, wz2)
    _acc_stats(sd1_ref, dz1)


def _p2(y1, sy1, g1, be1, w2, b2, wz1, sw1, wg1, wbe1, ww2, gdn, wd1, db1):
    row = lambda r: (r, 0)
    fixed = lambda r: (0, 0)
    args = (y1, sy1, g1, be1, w2, b2, wz1, sw1, wg1, wbe1, ww2, gdn, wd1, db1)
    blocks = [(RB, 64), None, None, None, None, None,
              (RB, 8), None, None, None, None, (RB, 1), None, None]
    in_specs = [
        pl.BlockSpec(bs if bs is not None else a.shape,
                     row if bs is not None else fixed)
        for a, bs in zip(args, blocks)
    ]
    return pl.pallas_call(
        _p2_body,
        grid=(ROWS // RB,),
        in_specs=in_specs,
        out_specs=[
            pl.BlockSpec((RB, 128), row),
            pl.BlockSpec((RB, 8), row),
            pl.BlockSpec((RB, 16), row),
            pl.BlockSpec((8, 128), fixed),
            pl.BlockSpec((8, 8), fixed),
            pl.BlockSpec((8, 16), fixed),
        ],
        out_shape=[
            jax.ShapeDtypeStruct((ROWS, 128), _f32),
            jax.ShapeDtypeStruct((ROWS, 8), _f32),
            jax.ShapeDtypeStruct((ROWS, 16), _f32),
            jax.ShapeDtypeStruct((8, 128), _f32),
            jax.ShapeDtypeStruct((8, 8), _f32),
            jax.ShapeDtypeStruct((8, 16), _f32),
        ],
    )(*args)


def _p3_body(wz2_ref, sw2_ref, wg2_ref, wbe2_ref, ww3_ref,
             dz1_ref, sd1_ref, dg1_ref, dbe1_ref, wd2_ref,
             wz3_ref, dz2_ref, sw3_ref, sd2_ref):
    hw2 = _bn_relu(wz2_ref[...], sw2_ref, wg2_ref, wbe2_ref, ROWS)
    wz3 = jnp.dot(hw2, ww3_ref[...], preferred_element_type=_f32)
    hd1 = _bn_relu(dz1_ref[...], sd1_ref, dg1_ref, dbe1_ref, ROWS)
    dz2 = jnp.dot(hd1, wd2_ref[...], preferred_element_type=_f32)
    wz3_ref[...] = wz3
    dz2_ref[...] = dz2
    _acc_stats(sw3_ref, wz3)
    _acc_stats(sd2_ref, dz2)


def _p3(wz2, sw2, wg2, wbe2, ww3, dz1, sd1, dg1, dbe1, wd2):
    row = lambda r: (r, 0)
    fixed = lambda r: (0, 0)
    args = (wz2, sw2, wg2, wbe2, ww3, dz1, sd1, dg1, dbe1, wd2)
    blocks = [(RB, 8), None, None, None, None, (RB, 16), None, None, None, None]
    in_specs = [
        pl.BlockSpec(bs if bs is not None else a.shape,
                     row if bs is not None else fixed)
        for a, bs in zip(args, blocks)
    ]
    return pl.pallas_call(
        _p3_body,
        grid=(ROWS // RB,),
        in_specs=in_specs,
        out_specs=[
            pl.BlockSpec((RB, 16), row),
            pl.BlockSpec((RB, 8), row),
            pl.BlockSpec((8, 16), fixed),
            pl.BlockSpec((8, 8), fixed),
        ],
        out_shape=[
            jax.ShapeDtypeStruct((ROWS, 16), _f32),
            jax.ShapeDtypeStruct((ROWS, 8), _f32),
            jax.ShapeDtypeStruct((8, 16), _f32),
            jax.ShapeDtypeStruct((8, 8), _f32),
        ],
    )(*args)


def _p4_body(dz2_ref, sd2_ref, dg2_ref, dbe2_ref, wd3_ref,
             dz3_ref, sd3_ref):
    hd2 = _bn_relu(dz2_ref[...], sd2_ref, dg2_ref, dbe2_ref, ROWS)
    dz3 = jnp.dot(hd2, wd3_ref[...], preferred_element_type=_f32)
    dz3_ref[...] = dz3
    _acc_stats(sd3_ref, dz3)


def _p4(dz2, sd2, dg2, dbe2, wd3):
    row = lambda r: (r, 0)
    fixed = lambda r: (0, 0)
    args = (dz2, sd2, dg2, dbe2, wd3)
    blocks = [(RB, 8), None, None, None, None]
    in_specs = [
        pl.BlockSpec(bs if bs is not None else a.shape,
                     row if bs is not None else fixed)
        for a, bs in zip(args, blocks)
    ]
    return pl.pallas_call(
        _p4_body,
        grid=(ROWS // RB,),
        in_specs=in_specs,
        out_specs=[
            pl.BlockSpec((RB, 1), row),
            pl.BlockSpec((8, 1), fixed),
        ],
        out_shape=[
            jax.ShapeDtypeStruct((ROWS, 1), _f32),
            jax.ShapeDtypeStruct((8, 1), _f32),
        ],
    )(*args)


SB = 128
RB5 = SB * NS


def _p5_body(y2_ref, sy2_ref, g2_ref, be2_ref,
             dz3_ref, sd3_ref, dg3_ref, dbe3_ref,
             wz3_ref, sw3_ref, wg3_ref, wbe3_ref,
             lstack_ref, lb_ref,
             out_ref, so_ref):
    h2 = _bn_relu(y2_ref[...], sy2_ref, g2_ref, be2_ref, ROWS)
    ds = _bn_relu(dz3_ref[...], sd3_ref, dg3_ref, dbe3_ref, ROWS)
    wv = _bn_relu(wz3_ref[...], sw3_ref, wg3_ref, wbe3_ref, ROWS)
    x = h2 * ds
    xr = x.reshape(SB, NS, 128)
    wr = wv.reshape(SB, NS, 16)
    m = lax.dot_general(wr, xr,
                        dimension_numbers=(((1,), (1,)), ((0,), (0,))),
                        preferred_element_type=_f32)
    acc = jnp.zeros((SB, 128), _f32) + lb_ref[...]
    for j in range(16):
        acc += jnp.dot(m[:, j, :], lstack_ref[j], preferred_element_type=_f32)
    out_ref[...] = acc
    _acc_stats(so_ref, acc)


def _p5(y2, sy2, g2, be2, dz3, sd3, dg3, dbe3, wz3, sw3, wg3, wbe3,
        lstack, lb):
    fixed = lambda r: (0, 0)
    args = (y2, sy2, g2, be2, dz3, sd3, dg3, dbe3, wz3, sw3, wg3, wbe3, lb)
    blocks = [(RB5, 128), None, None, None, (RB5, 1), None, None, None,
              (RB5, 16), None, None, None, None]
    in_specs = [
        pl.BlockSpec(bs if bs is not None else a.shape,
                     (lambda r: (r, 0)) if bs is not None else fixed)
        for a, bs in zip(args, blocks)
    ]
    in_specs = in_specs[:-1] + [
        pl.BlockSpec(lstack.shape, lambda r: (0, 0, 0)),
        in_specs[-1],
    ]
    return pl.pallas_call(
        _p5_body,
        grid=(ROWS // RB5,),
        in_specs=in_specs,
        out_specs=[
            pl.BlockSpec((SB, 128), lambda r: (r, 0)),
            pl.BlockSpec((8, 128), fixed),
        ],
        out_shape=[
            jax.ShapeDtypeStruct((GROUPS, 128), _f32),
            jax.ShapeDtypeStruct((8, 128), _f32),
        ],
    )(y2, sy2, g2, be2, dz3, sd3, dg3, dbe3, wz3, sw3, wg3, wbe3, lstack, lb)


def _p6_body(o_ref, so_ref, g_ref, be_ref, out_ref):
    out_ref[...] = _bn_relu(o_ref[...], so_ref, g_ref, be_ref, GROUPS)


def _p6(out_pre, so, g, be):
    OB = 512
    fixed = lambda r: (0, 0)
    return pl.pallas_call(
        _p6_body,
        grid=(GROUPS // OB,),
        in_specs=[
            pl.BlockSpec((OB, 128), lambda r: (r, 0)),
            pl.BlockSpec(so.shape, fixed),
            pl.BlockSpec(g.shape, fixed),
            pl.BlockSpec(be.shape, fixed),
        ],
        out_specs=pl.BlockSpec((OB, 128), lambda r: (r, 0)),
        out_shape=jax.ShapeDtypeStruct((GROUPS, 128), _f32),
    )(out_pre, so, g, be)


def kernel(xyz, points, params):
    xyz_t = jnp.transpose(xyz, (0, 2, 1))
    pts_t = jnp.transpose(points, (0, 2, 1))

    inv_d = _density(xyz_t, xyz)

    new_xyz_sc = _fps(jnp.transpose(xyz, (1, 0, 2)))
    new_xyz = jnp.transpose(new_xyz_sc, (1, 2, 0))

    idx = _knn(new_xyz, xyz)

    table = jnp.concatenate(
        [xyz_t, pts_t, inv_d, jnp.zeros((B, N, TD - 68), _f32)], axis=-1,
    ).reshape(B * N, TD)
    gathered = _sc_gather(table, idx.reshape(ROWS))

    nxe = jnp.broadcast_to(new_xyz[:, :, None, :],
                           (B, NP, NS, 3)).reshape(ROWS, 3)

    p = params
    mlp0, mlp1 = p['mlp'][0], p['mlp'][1]
    wn0, wn1, wn2 = p['wn']
    dn0, dn1, dn2 = p['dn']

    w1p = jnp.concatenate(
        [mlp0['w'], jnp.zeros((64, TD - 67), _f32)], axis=1).T
    r1 = lambda a: a.reshape(1, -1)

    y1, wz1, gd, sy1, sw1 = _p1(gathered, nxe, w1p,
                                r1(mlp0['b']), wn0['w'].T)

    gdn = _gmax(gd.reshape(GROUPS, NS)).reshape(ROWS, 1)

    y2, wz2, dz1, sy2, sw2, sd1 = _p2(
        y1, sy1, r1(mlp0['g']), r1(mlp0['be']), mlp1['w'].T, r1(mlp1['b']),
        wz1, sw1, r1(wn0['g']), r1(wn0['be']), wn1['w'].T,
        gdn, dn0['w'].T, r1(dn0['b']))

    wz3, dz2, sw3, sd2 = _p3(
        wz2, sw2, r1(wn1['g']), r1(wn1['be']), wn2['w'].T,
        dz1, sd1, r1(dn0['g']), r1(dn0['be']), dn1['w'].T)

    dz3, sd3 = _p4(dz2, sd2, r1(dn1['g']), r1(dn1['be']), dn2['w'].T)

    lstack = jnp.transpose(p['lin_w'].reshape(128, 128, 16), (2, 1, 0))
    out_pre, so = _p5(
        y2, sy2, r1(mlp1['g']), r1(mlp1['be']),
        dz3, sd3, r1(dn2['g']), r1(dn2['be']),
        wz3, sw3, r1(wn2['g']), r1(wn2['be']),
        lstack, r1(p['lin_b']))

    out = _p6(out_pre, so, r1(p['bnl_g']), r1(p['bnl_be']))
    out = jnp.transpose(out.reshape(B, NP, 128), (0, 2, 1))
    return jnp.transpose(new_xyz_sc, (1, 0, 2)), out

# --- scband reference (transcript-rebuilt; emitter-appended) ---
"""Pipeline reference for scband-point-sdf-81389630259789 (READ-ONLY COPY).

The authoritative reference and input builder live on the scoring server;
editing this copy changes nothing except your own understanding.
"""

import jax, jax.numpy as jnp
import numpy as np

NPOINT = 512
NSAMPLE = 32
BANDWIDTH = 0.1
EPS = 1e-5


def square_distance(src, dst):
    dist = -2.0 * jnp.matmul(src, jnp.transpose(dst, (0, 2, 1)))
    dist = dist + jnp.sum(src ** 2, -1)[:, :, None]
    dist = dist + jnp.sum(dst ** 2, -1)[:, None, :]
    return dist


def compute_density(xyz, bandwidth):
    out = jnp.exp(-square_distance(xyz, xyz) * 2.0 * bandwidth ** 2) / (2.5 * bandwidth)
    return out.mean(axis=-1)


def farthest_point_sample(xyz, npoint):
    B, N, C = xyz.shape
    def body(i, st):
        cent, dist, far = st
        cent = cent.at[:, i].set(far)
        c = xyz[jnp.arange(B), far, :][:, None, :]
        d = jnp.sum((xyz - c) ** 2, -1)
        dist = jnp.minimum(dist, d)
        far = jnp.argmax(dist, -1).astype(jnp.int32)
        return cent, dist, far
    cent = jnp.zeros((B, npoint), jnp.int32)
    dist = jnp.full((B, N), 1e10, xyz.dtype)
    far = jnp.zeros((B,), jnp.int32)
    cent, _, _ = jax.lax.fori_loop(0, npoint, body, (cent, dist, far))
    return cent


def index_points(points, idx):
    B = points.shape[0]
    bidx = jnp.arange(B).reshape((B,) + (1,) * (idx.ndim - 1))
    return points[bidx, idx]


def knn_point(nsample, xyz, new_xyz):
    sq = square_distance(new_xyz, xyz)
    _, gi = jax.lax.top_k(-sq, nsample)
    return gi


def sample_and_group(npoint, nsample, xyz, points, density_scale):
    B, N, C = xyz.shape
    fps_idx = farthest_point_sample(xyz, npoint)
    new_xyz = index_points(xyz, fps_idx)
    idx = knn_point(nsample, xyz, new_xyz)
    grouped_xyz = index_points(xyz, idx)
    gxn = grouped_xyz - new_xyz[:, :, None, :]
    gp = index_points(points, idx)
    new_points = jnp.concatenate([gxn, gp], -1)
    gd = index_points(density_scale, idx)
    return new_xyz, new_points, gxn, idx, gd


def conv1x1(x, w, b):
    return jnp.einsum('bchw,oc->bohw', x, w) + b.reshape(1, -1, 1, 1)


def bn2d(x, g, be):
    m = x.mean(axis=(0, 2, 3), keepdims=True)
    v = x.var(axis=(0, 2, 3), keepdims=True)
    return (x - m) / jnp.sqrt(v + EPS) * g.reshape(1, -1, 1, 1) + be.reshape(1, -1, 1, 1)


def bn1d(x, g, be):
    m = x.mean(axis=(0, 2), keepdims=True)
    v = x.var(axis=(0, 2), keepdims=True)
    return (x - m) / jnp.sqrt(v + EPS) * g.reshape(1, -1, 1) + be.reshape(1, -1, 1)


def mlp_stack(x, layers):
    # conv1x1 -> BN -> relu for every layer (matches torch: WeightNet always relu;
    # DensityNet's sigmoid branch is dead code due to the i == len(convs) bug, so relu too)
    for p in layers:
        x = jax.nn.relu(bn2d(conv1x1(x, p['w'], p['b']), p['g'], p['be']))
    return x


def pointconv_forward(xyz, points, params):
    B = xyz.shape[0]
    N = xyz.shape[2]
    xyz_t = jnp.transpose(xyz, (0, 2, 1))
    pts_t = jnp.transpose(points, (0, 2, 1))
    dens = compute_density(xyz_t, BANDWIDTH)
    inv_d = 1.0 / dens
    new_xyz, new_points, gxn, idx, gd = sample_and_group(NPOINT, NSAMPLE, xyz_t, pts_t, inv_d[:, :, None])
    x = jnp.transpose(new_points, (0, 3, 2, 1))  # [B, C+D, nsample, S]
    x = mlp_stack(x, params['mlp'])
    inv_max = jnp.max(gd, axis=2, keepdims=True)
    ds = gd / inv_max
    ds = mlp_stack(jnp.transpose(ds, (0, 3, 2, 1)), params['dn'])
    x = x * ds
    gx = jnp.transpose(gxn, (0, 3, 2, 1))  # [B, 3, nsample, S]
    w = mlp_stack(gx, params['wn'])  # [B, 16, nsample, S]
    out = jnp.matmul(jnp.transpose(x, (0, 3, 1, 2)), jnp.transpose(w, (0, 3, 2, 1))).reshape(B, NPOINT, -1)
    out = out @ params['lin_w'].T + params['lin_b']
    out = jax.nn.relu(bn1d(jnp.transpose(out, (0, 2, 1)), params['bnl_g'], params['bnl_be']))
    return jnp.transpose(new_xyz, (0, 2, 1)), out


def setup_inputs(seed: int = 0):
    key = jax.random.key(seed)
    ks = jax.random.split(key, 16)
    B, N, D = 8, 2048, 64
    xyz = jax.random.normal(ks[0], (B, 3, N), jnp.float32)
    points = jax.random.normal(ks[1], (B, D, N), jnp.float32)
    def mk(k, o, i, s=0.1):
        return {'w': s * jax.random.normal(k, (o, i), jnp.float32),
                'b': jnp.zeros((o,), jnp.float32),
                'g': jnp.ones((o,), jnp.float32),
                'be': jnp.zeros((o,), jnp.float32)}
    params = {
        'mlp': [mk(ks[2], 64, 67), mk(ks[3], 128, 64)],
        'wn': [mk(ks[4], 8, 3), mk(ks[5], 8, 8), mk(ks[6], 16, 8)],
        'dn': [mk(ks[7], 16, 1), mk(ks[8], 8, 16), mk(ks[9], 1, 8)],
        'lin_w': 0.02 * jax.random.normal(ks[10], (128, 16 * 128), jnp.float32),
        'lin_b': jnp.zeros((128,), jnp.float32),
        'bnl_g': jnp.ones((128,), jnp.float32),
        'bnl_be': jnp.zeros((128,), jnp.float32),
    }
    return {'xyz': xyz, 'points': points, 'params': params}


def reference(xyz, points, params):
    return pointconv_forward(xyz, points, params)

if __name__ == "__main__":
    import jax
    _d = setup_inputs()
    print(jax.jit(kernel)(*tuple(_d.values())))

</pallas_src>

<mosaic_0001>
#map = affine_map<(d0, d1) -> (0, 0)>
#map1 = affine_map<(d0, d1) -> (0)>
module attributes {stable_mosaic.version = 14 : i64} {
  func.func @_gather_body(%arg0: i32, %arg1: i32, %arg2: memref<16384x80xf32, #tpu.memory_space<hbm>>, %arg3: memref<131072xi32, #tpu.memory_space<hbm>>, %arg4: memref<131072x80xf32, #tpu.memory_space<hbm>>, %arg5: memref<128xi32, #tpu.memory_space<vmem>>, %arg6: memref<128x80xf32, #tpu.memory_space<vmem>>, %arg7: memref<!tpu.dma_semaphore, #tpu.memory_space<semaphore_mem>>) attributes {dimension_semantics = [#tpu.dimension_semantics<core_parallel>, #tpu.dimension_semantics<subcore_parallel>], iteration_bounds = array<i64: 2, 16>, scalar_prefetch = 0 : i64, scratch_operands = 3 : i64, tpu.core_type = #tpu.core_type<sc_vector_subcore>, window_params = [{transform_indices = #map}, {transform_indices = #map1}, {transform_indices = #map}]} {
    %mul3A = arith.constant 2 : i32
    %mul3A_0 = arith.muli %arg1, %mul3A : i32
    %add3A = arith.addi %mul3A_0, %arg0 : i32
    %scan3A = arith.constant 0 : i32
    %scan3A_1 = arith.constant 0 : i32
    %scan3A_2 = arith.constant 32 : i32
    %scan3A_3 = arith.addi %scan3A_1, %scan3A_2 : i32
    %scan3A_4 = arith.constant 1 : i32
    scf.for %scan3A_6 = %scan3A_1 to %scan3A_3 step %scan3A_4  : i32 {
      %mul3A_7 = arith.constant 4096 : i32
      %mul3A_8 = arith.muli %add3A, %mul3A_7 : i32
      %mul3A_9 = arith.constant 128 : i32
      %mul3A_10 = arith.muli %scan3A_6, %mul3A_9 : i32
      %add3A_11 = arith.addi %mul3A_8, %mul3A_10 : i32
      "tpu.region"() ({
        %run_scoped3A = tpu.sem_alloc : memref<!tpu.dma_semaphore, #tpu.memory_space<semaphore_mem>>
        %dma_start3A_16 = tpu.memref_slice %arg3[%add3A_11] : memref<131072xi32, #tpu.memory_space<hbm>> -> memref<128xi32, #tpu.memory_space<hbm>>
        %dma_start3A_17 = tpu.memref_slice %arg3[%add3A_11] : memref<131072xi32, #tpu.memory_space<hbm>> -> memref<128xi32, #tpu.memory_space<hbm>>
        tpu.enqueue_dma source(%dma_start3A_17 : memref<128xi32, #tpu.memory_space<hbm>>) target(%arg5 : memref<128xi32, #tpu.memory_space<vmem>>) target_semaphore(%run_scoped3A : memref<!tpu.dma_semaphore, #tpu.memory_space<semaphore_mem>>)
        %dma_wait3A_18 = tpu.memref_slice %arg3[%add3A_11] : memref<131072xi32, #tpu.memory_space<hbm>> -> memref<128xi32, #tpu.memory_space<hbm>>
        %dma_wait3A_19 = tpu.memref_slice %arg3[%add3A_11] : memref<131072xi32, #tpu.memory_space<hbm>> -> memref<128xi32, #tpu.memory_space<hbm>>
        tpu.wait_dma2 semaphore(%run_scoped3A : memref<!tpu.dma_semaphore, #tpu.memory_space<semaphore_mem>>) src(%dma_wait3A_19 : memref<128xi32, #tpu.memory_space<hbm>>) dst(%arg5 : memref<128xi32, #tpu.memory_space<vmem>>)
        tpu.yield
      }) : () -> ()
      %dma_start3A = arith.constant 0 : i32
      %dma_start3A_12 = arith.constant 0 : i32
      %dma_start3A_13 = tpu.memref_slice %arg2[%dma_start3A, %dma_start3A_12] : memref<16384x80xf32, #tpu.memory_space<hbm>> -> memref<16384x80xf32, #tpu.memory_space<hbm>>
      tpu.enqueue_indirect_dma source(%dma_start3A_13 : memref<16384x80xf32, #tpu.memory_space<hbm>>) target(%arg6 : memref<128x80xf32, #tpu.memory_space<vmem>>) offsets(%arg5 : memref<128xi32, #tpu.memory_space<vmem>>) semaphore(%arg7 : memref<!tpu.dma_semaphore, #tpu.memory_space<semaphore_mem>>)
      %dma_wait3A = arith.constant 0 : i32
      %dma_wait3A_14 = arith.constant 0 : i32
      %dma_wait3A_15 = tpu.memref_slice %arg2[%dma_wait3A, %dma_wait3A_14] : memref<16384x80xf32, #tpu.memory_space<hbm>> -> memref<16384x80xf32, #tpu.memory_space<hbm>>
      tpu.wait_indirect_dma semaphore(%arg7 : memref<!tpu.dma_semaphore, #tpu.memory_space<semaphore_mem>>) src(%dma_wait3A_15 : memref<16384x80xf32, #tpu.memory_space<hbm>>) dst(%arg6 : memref<128x80xf32, #tpu.memory_space<vmem>>)
      "tpu.region"() ({
        %run_scoped3A = tpu.sem_alloc : memref<!tpu.dma_semaphore, #tpu.memory_space<semaphore_mem>>
        %dma_start3A_16 = arith.constant 0 : i32
        %dma_start3A_17 = tpu.memref_slice %arg4[%add3A_11, %dma_start3A_16] : memref<131072x80xf32, #tpu.memory_space<hbm>> -> memref<128x80xf32, #tpu.memory_space<hbm>>
        %dma_start3A_18 = arith.constant 0 : i32
        %dma_start3A_19 = tpu.memref_slice %arg4[%add3A_11, %dma_start3A_18] : memref<131072x80xf32, #tpu.memory_space<hbm>> -> memref<128x80xf32, #tpu.memory_space<hbm>>
        tpu.enqueue_dma source(%arg6 : memref<128x80xf32, #tpu.memory_space<vmem>>) target(%dma_start3A_19 : memref<128x80xf32, #tpu.memory_space<hbm>>) target_semaphore(%run_scoped3A : memref<!tpu.dma_semaphore, #tpu.memory_space<semaphore_mem>>)
        %dma_wait3A_20 = arith.constant 0 : i32
        %dma_wait3A_21 = tpu.memref_slice %arg4[%add3A_11, %dma_wait3A_20] : memref<131072x80xf32, #tpu.memory_space<hbm>> -> memref<128x80xf32, #tpu.memory_space<hbm>>
        %dma_wait3A_22 = arith.constant 0 : i32
        %dma_wait3A_23 = tpu.memref_slice %arg4[%add3A_11, %dma_wait3A_22] : memref<131072x80xf32, #tpu.memory_space<hbm>> -> memref<128x80xf32, #tpu.memory_space<hbm>>
        tpu.wait_dma2 semaphore(%run_scoped3A : memref<!tpu.dma_semaphore, #tpu.memory_space<semaphore_mem>>) src(%arg6 : memref<128x80xf32, #tpu.memory_space<vmem>>) dst(%dma_wait3A_23 : memref<128x80xf32, #tpu.memory_space<hbm>>)
        tpu.yield
      }) : () -> ()
    }
    %scan3A_5 = arith.constant 32 : i32
    return
  }
}

module attributes {stable_mosaic.version = 14 : i64} {
  func.func @_fps_body(%arg0: memref<3x8x2048xf32, #tpu.memory_space<vmem>>, %arg1: memref<3x8x512xf32, #tpu.memory_space<vmem>>) attributes {dimension_semantics = [], scalar_prefetch = 0 : i64, scratch_operands = 0 : i64, tpu.core_type = #tpu.core_type<tc>} {
    %get3A = arith.constant 0 : index
    %get3A_0 = arith.constant 0 : index
    %get3A_1 = arith.constant 0 : index
    %get3A_2 = vector.load %arg0[%get3A, %get3A_0, %get3A_1] : memref<3x8x2048xf32, #tpu.memory_space<vmem>>, vector<3x8x2048xf32>
    %iota3A = tpu.iota {dimensions = array<i32: 1>} : vector<8x2048xi32>
    %iota3A_3 = tpu.iota {dimensions = array<i32: 2>} : vector<1x1x512xi32>
    %broadcast_in_dim3A = arith.constant 0.000000e+00 : f32
    %broadcast_in_dim3A_4 = vector.broadcast %broadcast_in_dim3A : f32 to vector<3x8x512xf32>
    %swap3A = arith.constant 0 : index
    %swap3A_5 = arith.constant 0 : index
    %swap3A_6 = arith.constant 0 : index
    %swap3A_7 = vector.load %arg1[%swap3A, %swap3A_5, %swap3A_6] : memref<3x8x512xf32, #tpu.memory_space<vmem>>, vector<3x8x512xf32>
    tpu.vector_store %arg1[%swap3A, %swap3A_5, %swap3A_6], %broadcast_in_dim3A_4 {strides = array<i32>} : memref<3x8x512xf32, #tpu.memory_space<vmem>>, vector<3x8x512xf32>,
    %broadcast_in_dim3A_8 = arith.constant 1.000000e+10 : f32
    %broadcast_in_dim3A_9 = vector.broadcast %broadcast_in_dim3A_8 : f32 to vector<8x2048xf32>
    %broadcast_in_dim3A_10 = arith.constant 0 : i32
    %broadcast_in_dim3A_11 = vector.broadcast %broadcast_in_dim3A_10 : i32 to vector<8x1xi32>
    %scan3A = arith.constant 0 : i32
    %scan3A_12 = arith.constant 512 : i32
    %scan3A_13 = arith.addi %scan3A, %scan3A_12 : i32
    %scan3A_14 = arith.constant 1 : i32
    %scan3A_15:2 = scf.for %scan3A_17 = %scan3A to %scan3A_13 step %scan3A_14 iter_args(%scan3A_18 = %broadcast_in_dim3A_9, %scan3A_19 = %broadcast_in_dim3A_11) -> (vector<8x2048xf32>, vector<8x1xi32>)  : i32 {
      %eq3A = vector.broadcast %scan3A_19 : vector<8x1xi32> to vector<8x2048xi32>
      %eq3A_20 = arith.cmpi eq, %iota3A, %eq3A : vector<8x2048xi32>
      %convert_element_type3A = arith.extui %eq3A_20 : vector<8x2048xi1> to vector<8x2048xi32>
      %convert_element_type3A_21 = arith.sitofp %convert_element_type3A : vector<8x2048xi32> to vector<8x2048xf32>
      %broadcast_in_dim3A_22 = vector.shape_cast %convert_element_type3A_21 : vector<8x2048xf32> to vector<1x8x2048xf32>
      %mul3A = vector.broadcast %broadcast_in_dim3A_22 : vector<1x8x2048xf32> to vector<3x8x2048xf32>
      %mul3A_23 = arith.mulf %get3A_2, %mul3A : vector<3x8x2048xf32>
      %reduce_sum3A = arith.constant dense<0.000000e+00> : vector<3x8xf32>
      %reduce_sum3A_24 = vector.multi_reduction <add>, %mul3A_23, %reduce_sum3A [2] : vector<3x8x2048xf32> to vector<3x8xf32>
      %broadcast_in_dim3A_25 = vector.shape_cast %reduce_sum3A_24 : vector<3x8xf32> to vector<3x8x1xf32>
      %sub3A = vector.broadcast %broadcast_in_dim3A_25 : vector<3x8x1xf32> to vector<3x8x2048xf32>
      %sub3A_26 = arith.subf %get3A_2, %sub3A : vector<3x8x2048xf32>
      %integer_pow3A = arith.mulf %sub3A_26, %sub3A_26 : vector<3x8x2048xf32>
      %reduce_sum3A_27 = arith.constant dense<0.000000e+00> : vector<8x2048xf32>
      %reduce_sum3A_28 = vector.multi_reduction <add>, %integer_pow3A, %reduce_sum3A_27 [0] : vector<3x8x2048xf32> to vector<8x2048xf32>
      %min3A = arith.minimumf %scan3A_18, %reduce_sum3A_28 : vector<8x2048xf32>
      %eq3A_29 = vector.broadcast %scan3A_17 : i32 to vector<1x1x512xi32>
      %eq3A_30 = arith.cmpi eq, %iota3A_3, %eq3A_29 : vector<1x1x512xi32>
      %convert_element_type3A_31 = arith.extui %eq3A_30 : vector<1x1x512xi1> to vector<1x1x512xi32>
      %convert_element_type3A_32 = arith.sitofp %convert_element_type3A_31 : vector<1x1x512xi32> to vector<1x1x512xf32>
      %get3A_33 = arith.constant 0 : index
      %get3A_34 = arith.constant 0 : index
      %get3A_35 = arith.constant 0 : index
      %get3A_36 = vector.load %arg1[%get3A_33, %get3A_34, %get3A_35] : memref<3x8x512xf32, #tpu.memory_space<vmem>>, vector<3x8x512xf32>
      %mul3A_37 = vector.broadcast %broadcast_in_dim3A_25 : vector<3x8x1xf32> to vector<3x8x512xf32>
      %mul3A_38 = vector.broadcast %convert_element_type3A_32 : vector<1x1x512xf32> to vector<3x8x512xf32>
      %mul3A_39 = arith.mulf %mul3A_37, %mul3A_38 : vector<3x8x512xf32>
      %add3A = arith.addf %get3A_36, %mul3A_39 : vector<3x8x512xf32>
      %swap3A_40 = arith.constant 0 : index
      %swap3A_41 = arith.constant 0 : index
      %swap3A_42 = arith.constant 0 : index
      %swap3A_43 = vector.load %arg1[%swap3A_40, %swap3A_41, %swap3A_42] : memref<3x8x512xf32, #tpu.memory_space<vmem>>, vector<3x8x512xf32>
      tpu.vector_store %arg1[%swap3A_40, %swap3A_41, %swap3A_42], %add3A {strides = array<i32>} : memref<3x8x512xf32, #tpu.memory_space<vmem>>, vector<3x8x512xf32>,
      %reduce_max3A = arith.constant dense<0xFF800000> : vector<8xf32>
      %reduce_max3A_44 = vector.multi_reduction <maximumf>, %min3A, %reduce_max3A [1] : vector<8x2048xf32> to vector<8xf32>
      %broadcast_in_dim3A_45 = vector.shape_cast %reduce_max3A_44 : vector<8xf32> to vector<8x1xf32>
      %eq3A_46 = vector.broadcast %broadcast_in_dim3A_45 : vector<8x1xf32> to vector<8x2048xf32>
      %eq3A_47 = arith.cmpf oeq, %min3A, %eq3A_46 : vector<8x2048xf32>
      %jit3A = arith.constant 2048 : i32
      %broadcast_in_dim3A_48 = vector.broadcast %jit3A : i32 to vector<8x2048xi32>
      %select_n3A = arith.select %eq3A_47, %iota3A, %broadcast_in_dim3A_48 : vector<8x2048xi1>, vector<8x2048xi32>
      %reduce_min3A = arith.constant dense<2147483647> : vector<8xi32>
      %reduce_min3A_49 = vector.multi_reduction <minsi>, %select_n3A, %reduce_min3A [1] : vector<8x2048xi32> to vector<8xi32>
      %broadcast_in_dim3A_50 = vector.shape_cast %reduce_min3A_49 : vector<8xi32> to vector<8x1xi32>
      scf.yield %min3A, %broadcast_in_dim3A_50 : vector<8x2048xf32>, vector<8x1xi32>
    }
    %scan3A_16 = arith.constant 512 : i32
    return
  }
}

module attributes {stable_mosaic.version = 14 : i64} {
  func.func @_knn_body(%arg0: i32, %arg1: i32, %arg2: memref<1x128x3xf32, #tpu.memory_space<vmem>>, %arg3: memref<1x3x2048xf32, #tpu.memory_space<vmem>>, %arg4: memref<1x128x32xi32, #tpu.memory_space<vmem>>) attributes {dimension_semantics = [#tpu.dimension_semantics<arbitrary>, #tpu.dimension_semantics<arbitrary>], iteration_bounds = array<i64: 8, 4>, scalar_prefetch = 0 : i64, scratch_operands = 0 : i64, tpu.core_type = #tpu.core_type<tc>, window_params = [{transform_indices = @transform_0, window_bounds = array<i64: 1, 128, 3>}, {transform_indices = @transform_1, window_bounds = array<i64: 1, 3, 2048>}, {transform_indices = @transform_2, window_bounds = array<i64: 1, 128, 32>}]} {
    %get3A = arith.constant 0 : index
    %get3A_0 = arith.constant 0 : index
    %get3A_1 = arith.constant 0 : index
    %get3A_2 = vector.load %arg2[%get3A, %get3A_0, %get3A_1] : memref<1x128x3xf32, #tpu.memory_space<vmem>>, vector<1x128x3xf32>
    %get3A_3 = vector.shape_cast %get3A_2 : vector<1x128x3xf32> to vector<128x3xf32>
    %get3A_4 = arith.constant 0 : index
    %get3A_5 = arith.constant 0 : index
    %get3A_6 = arith.constant 0 : index
    %get3A_7 = vector.load %arg3[%get3A_4, %get3A_5, %get3A_6] : memref<1x3x2048xf32, #tpu.memory_space<vmem>>, vector<1x3x2048xf32>
    %get3A_8 = vector.shape_cast %get3A_7 : vector<1x3x2048xf32> to vector<3x2048xf32>
    %dot_general3A = arith.constant dense<0.000000e+00> : vector<128x2048xf32>
    %dot_general3A_9 = tpu.matmul %get3A_3, %get3A_8, %dot_general3A {dimension_numbers = #tpu.dot_dimension_numbers<[1], [0], [0], [1], [0, 0, 1, 1], [], []>, transpose_lhs_hint = false} : vector<128x3xf32>, vector<3x2048xf32>, vector<128x2048xf32> -> vector<128x2048xf32>
    %mul3A = arith.mulf %get3A_3, %get3A_3 : vector<128x3xf32>
    %reduce_sum3A = arith.constant dense<0.000000e+00> : vector<128xf32>
    %reduce_sum3A_10 = vector.multi_reduction <add>, %mul3A, %reduce_sum3A [1] : vector<128x3xf32> to vector<128xf32>
    %broadcast_in_dim3A = vector.shape_cast %reduce_sum3A_10 : vector<128xf32> to vector<128x1xf32>
    %mul3A_11 = arith.mulf %get3A_8, %get3A_8 : vector<3x2048xf32>
    %reduce_sum3A_12 = arith.constant dense<0.000000e+00> : vector<2048xf32>
    %reduce_sum3A_13 = vector.multi_reduction <add>, %mul3A_11, %reduce_sum3A_12 [0] : vector<3x2048xf32> to vector<2048xf32>
    %broadcast_in_dim3A_14 = vector.shape_cast %reduce_sum3A_13 : vector<2048xf32> to vector<1x2048xf32>
    %mul3A_15 = arith.constant -2.000000e+00 : f32
    %mul3A_16 = vector.broadcast %mul3A_15 : f32 to vector<128x2048xf32>
    %mul3A_17 = arith.mulf %mul3A_16, %dot_general3A_9 : vector<128x2048xf32>
    %add3A = vector.broadcast %broadcast_in_dim3A : vector<128x1xf32> to vector<128x2048xf32>
    %add3A_18 = arith.addf %mul3A_17, %add3A : vector<128x2048xf32>
    %add3A_19 = vector.broadcast %broadcast_in_dim3A_14 : vector<1x2048xf32> to vector<128x2048xf32>
    %add3A_20 = arith.addf %add3A_18, %add3A_19 : vector<128x2048xf32>
    %iota3A = tpu.iota {dimensions = array<i32: 1>} : vector<128x2048xi32>
    %reduce_min3A = arith.constant dense<0x7F800000> : vector<128xf32>
    %reduce_min3A_21 = vector.multi_reduction <minimumf>, %add3A_20, %reduce_min3A [1] : vector<128x2048xf32> to vector<128xf32>
    %broadcast_in_dim3A_22 = vector.shape_cast %reduce_min3A_21 : vector<128xf32> to vector<128x1xf32>
    %eq3A = vector.broadcast %broadcast_in_dim3A_22 : vector<128x1xf32> to vector<128x2048xf32>
    %eq3A_23 = arith.cmpf oeq, %add3A_20, %eq3A : vector<128x2048xf32>
    %jit3A = arith.constant 2048 : i32
    %broadcast_in_dim3A_24 = vector.broadcast %jit3A : i32 to vector<128x2048xi32>
    %select_n3A = arith.select %eq3A_23, %iota3A, %broadcast_in_dim3A_24 : vector<128x2048xi1>, vector<128x2048xi32>
    %reduce_min3A_25 = arith.constant dense<2147483647> : vector<128xi32>
    %reduce_min3A_26 = vector.multi_reduction <minsi>, %select_n3A, %reduce_min3A_25 [1] : vector<128x2048xi32> to vector<128xi32>
    %broadcast_in_dim3A_27 = vector.shape_cast %reduce_min3A_26 : vector<128xi32> to vector<128x1xi32>
    %eq3A_28 = vector.broadcast %broadcast_in_dim3A_27 : vector<128x1xi32> to vector<128x2048xi32>
    %eq3A_29 = arith.cmpi eq, %iota3A, %eq3A_28 : vector<128x2048xi32>
    %jit3A_30 = arith.constant 0x7F800000 : f32
    %broadcast_in_dim3A_31 = vector.broadcast %jit3A_30 : f32 to vector<128x2048xf32>
    %select_n3A_32 = arith.select %eq3A_29, %broadcast_in_dim3A_31, %add3A_20 : vector<128x2048xi1>, vector<128x2048xf32>
    %reduce_min3A_33 = arith.constant dense<0x7F800000> : vector<128xf32>
    %reduce_min3A_34 = vector.multi_reduction <minimumf>, %select_n3A_32, %reduce_min3A_33 [1] : vector<128x2048xf32> to vector<128xf32>
    %broadcast_in_dim3A_35 = vector.shape_cast %reduce_min3A_34 : vector<128xf32> to vector<128x1xf32>
    %eq3A_36 = vector.broadcast %broadcast_in_dim3A_35 : vector<128x1xf32> to vector<128x2048xf32>
    %eq3A_37 = arith.cmpf oeq, %select_n3A_32, %eq3A_36 : vector<128x2048xf32>
    %jit3A_38 = arith.constant 2048 : i32
    %broadcast_in_dim3A_39 = vector.broadcast %jit3A_38 : i32 to vector<128x2048xi32>
    %select_n3A_40 = arith.select %eq3A_37, %iota3A, %broadcast_in_dim3A_39 : vector<128x2048xi1>, vector<128x2048xi32>
    %reduce_min3A_41 = arith.constant dense<2147483647> : vector<128xi32>
    %reduce_min3A_42 = vector.multi_reduction <minsi>, %select_n3A_40, %reduce_min3A_41 [1] : vector<128x2048xi32> to vector<128xi32>
    %broadcast_in_dim3A_43 = vector.shape_cast %reduce_min3A_42 : vector<128xi32> to vector<128x1xi32>
    %eq3A_44 = vector.broadcast %broadcast_in_dim3A_43 : vector<128x1xi32> to vector<128x2048xi32>
    %eq3A_45 = arith.cmpi eq, %iota3A, %eq3A_44 : vector<128x2048xi32>
    %jit3A_46 = arith.constant 0x7F800000 : f32
    %broadcast_in_dim3A_47 = vector.broadcast %jit3A_46 : f32 to vector<128x2048xf32>
    %select_n3A_48 = arith.select %eq3A_45, %broadcast_in_dim3A_47, %select_n3A_32 : vector<128x2048xi1>, vector<128x2048xf32>
    %reduce_min3A_49 = arith.constant dense<0x7F800000> : vector<128xf32>
    %reduce_min3A_50 = vector.multi_reduction <minimumf>, %select_n3A_48, %reduce_min3A_49 [1] : vector<128x2048xf32> to vector<128xf32>
    %broadcast_in_dim3A_51 = vector.shape_cast %reduce_min3A_50 : vector<128xf32> to vector<128x1xf32>
    %eq3A_52 = vector.broadcast %broadcast_in_dim3A_51 : vector<128x1xf32> to vector<128x2048xf32>
    %eq3A_53 = arith.cmpf oeq, %select_n3A_48, %eq3A_52 : vector<128x2048xf32>
    %jit3A_54 = arith.constant 2048 : i32
    %broadcast_in_dim3A_55 = vector.broadcast %jit3A_54 : i32 to vector<128x2048xi32>
    %select_n3A_56 = arith.select %eq3A_53, %iota3A, %broadcast_in_dim3A_55 : vector<128x2048xi1>, vector<128x2048xi32>
    %reduce_min3A_57 = arith.constant dense<2147483647> : vector<128xi32>
    %reduce_min3A_58 = vector.multi_reduction <minsi>, %select_n3A_56, %reduce_min3A_57 [1] : vector<128x2048xi32> to vector<128xi32>
    %broadcast_in_dim3A_59 = vector.shape_cast %reduce_min3A_58 : vector<128xi32> to vector<128x1xi32>
    %eq3A_60 = vector.broadcast %broadcast_in_dim3A_59 : vector<128x1xi32> to vector<128x2048xi32>
    %eq3A_61 = arith.cmpi eq, %iota3A, %eq3A_60 : vector<128x2048xi32>
    %jit3A_62 = arith.constant 0x7F800000 : f32
    %broadcast_in_dim3A_63 = vector.broadcast %jit3A_62 : f32 to vector<128x2048xf32>
    %select_n3A_64 = arith.select %eq3A_61, %broadcast_in_dim3A_63, %select_n3A_48 : vector<128x2048xi1>, vector<128x2048xf32>
    %reduce_min3A_65 = arith.constant dense<0x7F800000> : vector<128xf32>
    %reduce_min3A_66 = vector.multi_reduction <minimumf>, %select_n3A_64, %reduce_min3A_65 [1] : vector<128x2048xf32> to vector<128xf32>
    %broadcast_in_dim3A_67 = vector.shape_cast %reduce_min3A_66 : vector<128xf32> to vector<128x1xf32>
    %eq3A_68 = vector.broadcast %broadcast_in_dim3A_67 : vector<128x1xf32> to vector<128x2048xf32>
    %eq3A_69 = arith.cmpf oeq, %select_n3A_64, %eq3A_68 : vector<128x2048xf32>
    %jit3A_70 = arith.constant 2048 : i32
    %broadcast_in_dim3A_71 = vector.broadcast %jit3A_70 : i32 to vector<128x2048xi32>
    %select_n3A_72 = arith.select %eq3A_69, %iota3A, %broadcast_in_dim3A_71 : vector<128x2048xi1>, vector<128x2048xi32>
    %reduce_min3A_73 = arith.constant dense<2147483647> : vector<128xi32>
    %reduce_min3A_74 = vector.multi_reduction <minsi>, %select_n3A_72, %reduce_min3A_73 [1] : vector<128x2048xi32> to vector<128xi32>
    %broadcast_in_dim3A_75 = vector.shape_cast %reduce_min3A_74 : vector<128xi32> to vector<128x1xi32>
    %eq3A_76 = vector.broadcast %broadcast_in_dim3A_75 : vector<128x1xi32> to vector<128x2048xi32>
    %eq3A_77 = arith.cmpi eq, %iota3A, %eq3A_76 : vector<128x2048xi32>
    %jit3A_78 = arith.constant 0x7F800000 : f32
    %broadcast_in_dim3A_79 = vector.broadcast %jit3A_78 : f32 to vector<128x2048xf32>
    %select_n3A_80 = arith.select %eq3A_77, %broadcast_in_dim3A_79, %select_n3A_64 : vector<128x2048xi1>, vector<128x2048xf32>
    %reduce_min3A_81 = arith.constant dense<0x7F800000> : vector<128xf32>
    %reduce_min3A_82 = vector.multi_reduction <minimumf>, %select_n3A_80, %reduce_min3A_81 [1] : vector<128x2048xf32> to vector<128xf32>
    %broadcast_in_dim3A_83 = vector.shape_cast %reduce_min3A_82 : vector<128xf32> to vector<128x1xf32>
    %eq3A_84 = vector.broadcast %broadcast_in_dim3A_83 : vector<128x1xf32> to vector<128x2048xf32>
    %eq3A_85 = arith.cmpf oeq, %select_n3A_80, %eq3A_84 : vector<128x2048xf32>
    %jit3A_86 = arith.constant 2048 : i32
    %broadcast_in_dim3A_87 = vector.broadcast %jit3A_86 : i32 to vector<128x2048xi32>
    %select_n3A_88 = arith.select %eq3A_85, %iota3A, %broadcast_in_dim3A_87 : vector<128x2048xi1>, vector<128x2048xi32>
    %reduce_min3A_89 = arith.constant dense<2147483647> : vector<128xi32>
    %reduce_min3A_90 = vector.multi_reduction <minsi>, %select_n3A_88, %reduce_min3A_89 [1] : vector<128x2048xi32> to vector<128xi32>
    %broadcast_in_dim3A_91 = vector.shape_cast %reduce_min3A_90 : vector<128xi32> to vector<128x1xi32>
    %eq3A_92 = vector.broadcast %broadcast_in_dim3A_91 : vector<128x1xi32> to vector<128x2048xi32>
    %eq3A_93 = arith.cmpi eq, %iota3A, %eq3A_92 : vector<128x2048xi32>
    %jit3A_94 = arith.constant 0x7F800000 : f32
    %broadcast_in_dim3A_95 = vector.broadcast %jit3A_94 : f32 to vector<128x2048xf32>
    %select_n3A_96 = arith.select %eq3A_93, %broadcast_in_dim3A_95, %select_n3A_80 : vector<128x2048xi1>, vector<128x2048xf32>
    %reduce_min3A_97 = arith.constant dense<0x7F800000> : vector<128xf32>
    %reduce_min3A_98 = vector.multi_reduction <minimumf>, %select_n3A_96, %reduce_min3A_97 [1] : vector<128x2048xf32> to vector<128xf32>
    %broadcast_in_dim3A_99 = vector.shape_cast %reduce_min3A_98 : vector<128xf32> to vector<128x1xf32>
    %eq3A_100 = vector.broadcast %broadcast_in_dim3A_99 : vector<128x1xf32> to vector<128x2048xf32>
    %eq3A_101 = arith.cmpf oeq, %select_n3A_96, %eq3A_100 : vector<128x2048xf32>
    %jit3A_102 = arith.constant 2048 : i32
    %broadcast_in_dim3A_103 = vector.broadcast %jit3A_102 : i32 to vector<128x2048xi32>
    %select_n3A_104 = arith.select %eq3A_101, %iota3A, %broadcast_in_dim3A_103 : vector<128x2048xi1>, vector<128x2048xi32>
    %reduce_min3A_105 = arith.constant dense<2147483647> : vector<128xi32>
    %reduce_min3A_106 = vector.multi_reduction <minsi>, %select_n3A_104, %reduce_min3A_105 [1] : vector<128x2048xi32> to vector<128xi32>
    %broadcast_in_dim3A_107 = vector.shape_cast %reduce_min3A_106 : vector<128xi32> to vector<128x1xi32>
    %eq3A_108 = vector.broadcast %broadcast_in_dim3A_107 : vector<128x1xi32> to vector<128x2048xi32>
    %eq3A_109 = arith.cmpi eq, %iota3A, %eq3A_108 : vector<128x2048xi32>
    %jit3A_110 = arith.constant 0x7F800000 : f32
    %broadcast_in_dim3A_111 = vector.broadcast %jit3A_110 : f32 to vector<128x2048xf32>
    %select_n3A_112 = arith.select %eq3A_109, %broadcast_in_dim3A_111, %select_n3A_96 : vector<128x2048xi1>, vector<128x2048xf32>
    %reduce_min3A_113 = arith.constant dense<0x7F800000> : vector<128xf32>
    %reduce_min3A_114 = vector.multi_reduction <minimumf>, %select_n3A_112, %reduce_min3A_113 [1] : vector<128x2048xf32> to vector<128xf32>
    %broadcast_in_dim3A_115 = vector.shape_cast %reduce_min3A_114 : vector<128xf32> to vector<128x1xf32>
    %eq3A_116 = vector.broadcast %broadcast_in_dim3A_115 : vector<128x1xf32> to vector<128x2048xf32>
    %eq3A_117 = arith.cmpf oeq, %select_n3A_112, %eq3A_116 : vector<128x2048xf32>
    %jit3A_118 = arith.constant 2048 : i32
    %broadcast_in_dim3A_119 = vector.broadcast %jit3A_118 : i32 to vector<128x2048xi32>
    %select_n3A_120 = arith.select %eq3A_117, %iota3A, %broadcast_in_dim3A_119 : vector<128x2048xi1>, vector<128x2048xi32>
    %reduce_min3A_121 = arith.constant dense<2147483647> : vector<128xi32>
    %reduce_min3A_122 = vector.multi_reduction <minsi>, %select_n3A_120, %reduce_min3A_121 [1] : vector<128x2048xi32> to vector<128xi32>
    %broadcast_in_dim3A_123 = vector.shape_cast %reduce_min3A_122 : vector<128xi32> to vector<128x1xi32>
    %eq3A_124 = vector.broadcast %broadcast_in_dim3A_123 : vector<128x1xi32> to vector<128x2048xi32>
    %eq3A_125 = arith.cmpi eq, %iota3A, %eq3A_124 : vector<128x2048xi32>
    %jit3A_126 = arith.constant 0x7F800000 : f32
    %broadcast_in_dim3A_127 = vector.broadcast %jit3A_126 : f32 to vector<128x2048xf32>
    %select_n3A_128 = arith.select %eq3A_125, %broadcast_in_dim3A_127, %select_n3A_112 : vector<128x2048xi1>, vector<128x2048xf32>
    %reduce_min3A_129 = arith.constant dense<0x7F800000> : vector<128xf32>
    %reduce_min3A_130 = vector.multi_reduction <minimumf>, %select_n3A_128, %reduce_min3A_129 [1] : vector<128x2048xf32> to vector<128xf32>
    %broadcast_in_dim3A_131 = vector.shape_cast %reduce_min3A_130 : vector<128xf32> to vector<128x1xf32>
    %eq3A_132 = vector.broadcast %broadcast_in_dim3A_131 : vector<128x1xf32> to vector<128x2048xf32>
    %eq3A_133 = arith.cmpf oeq, %select_n3A_128, %eq3A_132 : vector<128x2048xf32>
    %jit3A_134 = arith.constant 2048 : i32
    %broadcast_in_dim3A_135 = vector.broadcast %jit3A_134 : i32 to vector<128x2048xi32>
    %select_n3A_136 = arith.select %eq3A_133, %iota3A, %broadcast_in_dim3A_135 : vector<128x2048xi1>, vector<128x2048xi32>
    %reduce_min3A_137 = arith.constant dense<2147483647> : vector<128xi32>
    %reduce_min3A_138 = vector.multi_reduction <minsi>, %select_n3A_136, %reduce_min3A_137 [1] : vector<128x2048xi32> to vector<128xi32>
    %broadcast_in_dim3A_139 = vector.shape_cast %reduce_min3A_138 : vector<128xi32> to vector<128x1xi32>
    %eq3A_140 = vector.broadcast %broadcast_in_dim3A_139 : vector<128x1xi32> to vector<128x2048xi32>
    %eq3A_141 = arith.cmpi eq, %iota3A, %eq3A_140 : vector<128x2048xi32>
    %jit3A_142 = arith.constant 0x7F800000 : f32
    %broadcast_in_dim3A_143 = vector.broadcast %jit3A_142 : f32 to vector<128x2048xf32>
    %select_n3A_144 = arith.select %eq3A_141, %broadcast_in_dim3A_143, %select_n3A_128 : vector<128x2048xi1>, vector<128x2048xf32>
    %reduce_min3A_145 = arith.constant dense<0x7F800000> : vector<128xf32>
    %reduce_min3A_146 = vector.multi_reduction <minimumf>, %select_n3A_144, %reduce_min3A_145 [1] : vector<128x2048xf32> to vector<128xf32>
    %broadcast_in_dim3A_147 = vector.shape_cast %reduce_min3A_146 : vector<128xf32> to vector<128x1xf32>
    %eq3A_148 = vector.broadcast %broadcast_in_dim3A_147 : vector<128x1xf32> to vector<128x2048xf32>
    %eq3A_149 = arith.cmpf oeq, %select_n3A_144, %eq3A_148 : vector<128x2048xf32>
    %jit3A_150 = arith.constant 2048 : i32
    %broadcast_in_dim3A_151 = vector.broadcast %jit3A_150 : i32 to vector<128x2048xi32>
    %select_n3A_152 = arith.select %eq3A_149, %iota3A, %broadcast_in_dim3A_151 : vector<128x2048xi1>, vector<128x2048xi32>
    %reduce_min3A_153 = arith.constant dense<2147483647> : vector<128xi32>
    %reduce_min3A_154 = vector.multi_reduction <minsi>, %select_n3A_152, %reduce_min3A_153 [1] : vector<128x2048xi32> to vector<128xi32>
    %broadcast_in_dim3A_155 = vector.shape_cast %reduce_min3A_154 : vector<128xi32> to vector<128x1xi32>
    %eq3A_156 = vector.broadcast %broadcast_in_dim3A_155 : vector<128x1xi32> to vector<128x2048xi32>
    %eq3A_157 = arith.cmpi eq, %iota3A, %eq3A_156 : vector<128x2048xi32>
    %jit3A_158 = arith.constant 0x7F800000 : f32
    %broadcast_in_dim3A_159 = vector.broadcast %jit3A_158 : f32 to vector<128x2048xf32>
    %select_n3A_160 = arith.select %eq3A_157, %broadcast_in_dim3A_159, %select_n3A_144 : vector<128x2048xi1>, vector<128x2048xf32>
    %reduce_min3A_161 = arith.constant dense<0x7F800000> : vector<128xf32>
    %reduce_min3A_162 = vector.multi_reduction <minimumf>, %select_n3A_160, %reduce_min3A_161 [1] : vector<128x2048xf32> to vector<128xf32>
    %broadcast_in_dim3A_163 = vector.shape_cast %reduce_min3A_162 : vector<128xf32> to vector<128x1xf32>
    %eq3A_164 = vector.broadcast %broadcast_in_dim3A_163 : vector<128x1xf32> to vector<128x2048xf32>
    %eq3A_165 = arith.cmpf oeq, %select_n3A_160, %eq3A_164 : vector<128x2048xf32>
    %jit3A_166 = arith.constant 2048 : i32
    %broadcast_in_dim3A_167 = vector.broadcast %jit3A_166 : i32 to vector<128x2048xi32>
    %select_n3A_168 = arith.select %eq3A_165, %iota3A, %broadcast_in_dim3A_167 : vector<128x2048xi1>, vector<128x2048xi32>
    %reduce_min3A_169 = arith.constant dense<2147483647> : vector<128xi32>
    %reduce_min3A_170 = vector.multi_reduction <minsi>, %select_n3A_168, %reduce_min3A_169 [1] : vector<128x2048xi32> to vector<128xi32>
    %broadcast_in_dim3A_171 = vector.shape_cast %reduce_min3A_170 : vector<128xi32> to vector<128x1xi32>
    %eq3A_172 = vector.broadcast %broadcast_in_dim3A_171 : vector<128x1xi32> to vector<128x2048xi32>
    %eq3A_173 = arith.cmpi eq, %iota3A, %eq3A_172 : vector<128x2048xi32>
    %jit3A_174 = arith.constant 0x7F800000 : f32
    %broadcast_in_dim3A_175 = vector.broadcast %jit3A_174 : f32 to vector<128x2048xf32>
    %select_n3A_176 = arith.select %eq3A_173, %broadcast_in_dim3A_175, %select_n3A_160 : vector<128x2048xi1>, vector<128x2048xf32>
    %reduce_min3A_177 = arith.constant dense<0x7F800000> : vector<128xf32>
    %reduce_min3A_178 = vector.multi_reduction <minimumf>, %select_n3A_176, %reduce_min3A_177 [1] : vector<128x2048xf32> to vector<128xf32>
    %broadcast_in_dim3A_179 = vector.shape_cast %reduce_min3A_178 : vector<128xf32> to vector<128x1xf32>
    %eq3A_180 = vector.broadcast %broadcast_in_dim3A_179 : vector<128x1xf32> to vector<128x2048xf32>
    %eq3A_181 = arith.cmpf oeq, %select_n3A_176, %eq3A_180 : vector<128x2048xf32>
    %jit3A_182 = arith.constant 2048 : i32
    %broadcast_in_dim3A_183 = vector.broadcast %jit3A_182 : i32 to vector<128x2048xi32>
    %select_n3A_184 = arith.select %eq3A_181, %iota3A, %broadcast_in_dim3A_183 : vector<128x2048xi1>, vector<128x2048xi32>
    %reduce_min3A_185 = arith.constant dense<2147483647> : vector<128xi32>
    %reduce_min3A_186 = vector.multi_reduction <minsi>, %select_n3A_184, %reduce_min3A_185 [1] : vector<128x2048xi32> to vector<128xi32>
    %broadcast_in_dim3A_187 = vector.shape_cast %reduce_min3A_186 : vector<128xi32> to vector<128x1xi32>
    %eq3A_188 = vector.broadcast %broadcast_in_dim3A_187 : vector<128x1xi32> to vector<128x2048xi32>
    %eq3A_189 = arith.cmpi eq, %iota3A, %eq3A_188 : vector<128x2048xi32>
    %jit3A_190 = arith.constant 0x7F800000 : f32
    %broadcast_in_dim3A_191 = vector.broadcast %jit3A_190 : f32 to vector<128x2048xf32>
    %select_n3A_192 = arith.select %eq3A_189, %broadcast_in_dim3A_191, %select_n3A_176 : vector<128x2048xi1>, vector<128x2048xf32>
    %reduce_min3A_193 = arith.constant dense<0x7F800000> : vector<128xf32>
    %reduce_min3A_194 = vector.multi_reduction <minimumf>, %select_n3A_192, %reduce_min3A_193 [1] : vector<128x2048xf32> to vector<128xf32>
    %broadcast_in_dim3A_195 = vector.shape_cast %reduce_min3A_194 : vector<128xf32> to vector<128x1xf32>
    %eq3A_196 = vector.broadcast %broadcast_in_dim3A_195 : vector<128x1xf32> to vector<128x2048xf32>
    %eq3A_197 = arith.cmpf oeq, %select_n3A_192, %eq3A_196 : vector<128x2048xf32>
    %jit3A_198 = arith.constant 2048 : i32
    %broadcast_in_dim3A_199 = vector.broadcast %jit3A_198 : i32 to vector<128x2048xi32>
    %select_n3A_200 = arith.select %eq3A_197, %iota3A, %broadcast_in_dim3A_199 : vector<128x2048xi1>, vector<128x2048xi32>
    %reduce_min3A_201 = arith.constant dense<2147483647> : vector<128xi32>
    %reduce_min3A_202 = vector.multi_reduction <minsi>, %select_n3A_200, %reduce_min3A_201 [1] : vector<128x2048xi32> to vector<128xi32>
    %broadcast_in_dim3A_203 = vector.shape_cast %reduce_min3A_202 : vector<128xi32> to vector<128x1xi32>
    %eq3A_204 = vector.broadcast %broadcast_in_dim3A_203 : vector<128x1xi32> to vector<128x2048xi32>
    %eq3A_205 = arith.cmpi eq, %iota3A, %eq3A_204 : vector<128x2048xi32>
    %jit3A_206 = arith.constant 0x7F800000 : f32
    %broadcast_in_dim3A_207 = vector.broadcast %jit3A_206 : f32 to vector<128x2048xf32>
    %select_n3A_208 = arith.select %eq3A_205, %broadcast_in_dim3A_207, %select_n3A_192 : vector<128x2048xi1>, vector<128x2048xf32>
    %reduce_min3A_209 = arith.constant dense<0x7F800000> : vector<128xf32>
    %reduce_min3A_210 = vector.multi_reduction <minimumf>, %select_n3A_208, %reduce_min3A_209 [1] : vector<128x2048xf32> to vector<128xf32>
    %broadcast_in_dim3A_211 = vector.shape_cast %reduce_min3A_210 : vector<128xf32> to vector<128x1xf32>
    %eq3A_212 = vector.broadcast %broadcast_in_dim3A_211 : vector<128x1xf32> to vector<128x2048xf32>
    %eq3A_213 = arith.cmpf oeq, %select_n3A_208, %eq3A_212 : vector<128x2048xf32>
    %jit3A_214 = arith.constant 2048 : i32
    %broadcast_in_dim3A_215 = vector.broadcast %jit3A_214 : i32 to vector<128x2048xi32>
    %select_n3A_216 = arith.select %eq3A_213, %iota3A, %broadcast_in_dim3A_215 : vector<128x2048xi1>, vector<128x2048xi32>
    %reduce_min3A_217 = arith.constant dense<2147483647> : vector<128xi32>
    %reduce_min3A_218 = vector.multi_reduction <minsi>, %select_n3A_216, %reduce_min3A_217 [1] : vector<128x2048xi32> to vector<128xi32>
    %broadcast_in_dim3A_219 = vector.shape_cast %reduce_min3A_218 : vector<128xi32> to vector<128x1xi32>
    %eq3A_220 = vector.broadcast %broadcast_in_dim3A_219 : vector<128x1xi32> to vector<128x2048xi32>
    %eq3A_221 = arith.cmpi eq, %iota3A, %eq3A_220 : vector<128x2048xi32>
    %jit3A_222 = arith.constant 0x7F800000 : f32
    %broadcast_in_dim3A_223 = vector.broadcast %jit3A_222 : f32 to vector<128x2048xf32>
    %select_n3A_224 = arith.select %eq3A_221, %broadcast_in_dim3A_223, %select_n3A_208 : vector<128x2048xi1>, vector<128x2048xf32>
    %reduce_min3A_225 = arith.constant dense<0x7F800000> : vector<128xf32>
    %reduce_min3A_226 = vector.multi_reduction <minimumf>, %select_n3A_224, %reduce_min3A_225 [1] : vector<128x2048xf32> to vector<128xf32>
    %broadcast_in_dim3A_227 = vector.shape_cast %reduce_min3A_226 : vector<128xf32> to vector<128x1xf32>
    %eq3A_228 = vector.broadcast %broadcast_in_dim3A_227 : vector<128x1xf32> to vector<128x2048xf32>
    %eq3A_229 = arith.cmpf oeq, %select_n3A_224, %eq3A_228 : vector<128x2048xf32>
    %jit3A_230 = arith.constant 2048 : i32
    %broadcast_in_dim3A_231 = vector.broadcast %jit3A_230 : i32 to vector<128x2048xi32>
    %select_n3A_232 = arith.select %eq3A_229, %iota3A, %broadcast_in_dim3A_231 : vector<128x2048xi1>, vector<128x2048xi32>
    %reduce_min3A_233 = arith.constant dense<2147483647> : vector<128xi32>
    %reduce_min3A_234 = vector.multi_reduction <minsi>, %select_n3A_232, %reduce_min3A_233 [1] : vector<128x2048xi32> to vector<128xi32>
    %broadcast_in_dim3A_235 = vector.shape_cast %reduce_min3A_234 : vector<128xi32> to vector<128x1xi32>
    %eq3A_236 = vector.broadcast %broadcast_in_dim3A_235 : vector<128x1xi32> to vector<128x2048xi32>
    %eq3A_237 = arith.cmpi eq, %iota3A, %eq3A_236 : vector<128x2048xi32>
    %jit3A_238 = arith.constant 0x7F800000 : f32
    %broadcast_in_dim3A_239 = vector.broadcast %jit3A_238 : f32 to vector<128x2048xf32>
    %select_n3A_240 = arith.select %eq3A_237, %broadcast_in_dim3A_239, %select_n3A_224 : vector<128x2048xi1>, vector<128x2048xf32>
    %reduce_min3A_241 = arith.constant dense<0x7F800000> : vector<128xf32>
    %reduce_min3A_242 = vector.multi_reduction <minimumf>, %select_n3A_240, %reduce_min3A_241 [1] : vector<128x2048xf32> to vector<128xf32>
    %broadcast_in_dim3A_243 = vector.shape_cast %reduce_min3A_242 : vector<128xf32> to vector<128x1xf32>
    %eq3A_244 = vector.broadcast %broadcast_in_dim3A_243 : vector<128x1xf32> to vector<128x2048xf32>
    %eq3A_245 = arith.cmpf oeq, %select_n3A_240, %eq3A_244 : vector<128x2048xf32>
    %jit3A_246 = arith.constant 2048 : i32
    %broadcast_in_dim3A_247 = vector.broadcast %jit3A_246 : i32 to vector<128x2048xi32>
    %select_n3A_248 = arith.select %eq3A_245, %iota3A, %broadcast_in_dim3A_247 : vector<128x2048xi1>, vector<128x2048xi32>
    %reduce_min3A_249 = arith.constant dense<2147483647> : vector<128xi32>
    %reduce_min3A_250 = vector.multi_reduction <minsi>, %select_n3A_248, %reduce_min3A_249 [1] : vector<128x2048xi32> to vector<128xi32>
    %broadcast_in_dim3A_251 = vector.shape_cast %reduce_min3A_250 : vector<128xi32> to vector<128x1xi32>
    %eq3A_252 = vector.broadcast %broadcast_in_dim3A_251 : vector<128x1xi32> to vector<128x2048xi32>
    %eq3A_253 = arith.cmpi eq, %iota3A, %eq3A_252 : vector<128x2048xi32>
    %jit3A_254 = arith.constant 0x7F800000 : f32
    %broadcast_in_dim3A_255 = vector.broadcast %jit3A_254 : f32 to vector<128x2048xf32>
    %select_n3A_256 = arith.select %eq3A_253, %broadcast_in_dim3A_255, %select_n3A_240 : vector<128x2048xi1>, vector<128x2048xf32>
    %reduce_min3A_257 = arith.constant dense<0x7F800000> : vector<128xf32>
    %reduce_min3A_258 = vector.multi_reduction <minimumf>, %select_n3A_256, %reduce_min3A_257 [1] : vector<128x2048xf32> to vector<128xf32>
    %broadcast_in_dim3A_259 = vector.shape_cast %reduce_min3A_258 : vector<128xf32> to vector<128x1xf32>
    %eq3A_260 = vector.broadcast %broadcast_in_dim3A_259 : vector<128x1xf32> to vector<128x2048xf32>
    %eq3A_261 = arith.cmpf oeq, %select_n3A_256, %eq3A_260 : vector<128x2048xf32>
    %jit3A_262 = arith.constant 2048 : i32
    %broadcast_in_dim3A_263 = vector.broadcast %jit3A_262 : i32 to vector<128x2048xi32>
    %select_n3A_264 = arith.select %eq3A_261, %iota3A, %broadcast_in_dim3A_263 : vector<128x2048xi1>, vector<128x2048xi32>
    %reduce_min3A_265 = arith.constant dense<2147483647> : vector<128xi32>
    %reduce_min3A_266 = vector.multi_reduction <minsi>, %select_n3A_264, %reduce_min3A_265 [1] : vector<128x2048xi32> to vector<128xi32>
    %broadcast_in_dim3A_267 = vector.shape_cast %reduce_min3A_266 : vector<128xi32> to vector<128x1xi32>
    %eq3A_268 = vector.broadcast %broadcast_in_dim3A_267 : vector<128x1xi32> to vector<128x2048xi32>
    %eq3A_269 = arith.cmpi eq, %iota3A, %eq3A_268 : vector<128x2048xi32>
    %jit3A_270 = arith.constant 0x7F800000 : f32
    %broadcast_in_dim3A_271 = vector.broadcast %jit3A_270 : f32 to vector<128x2048xf32>
    %select_n3A_272 = arith.select %eq3A_269, %broadcast_in_dim3A_271, %select_n3A_256 : vector<128x2048xi1>, vector<128x2048xf32>
    %reduce_min3A_273 = arith.constant dense<0x7F800000> : vector<128xf32>
    %reduce_min3A_274 = vector.multi_reduction <minimumf>, %select_n3A_272, %reduce_min3A_273 [1] : vector<128x2048xf32> to vector<128xf32>
    %broadcast_in_dim3A_275 = vector.shape_cast %reduce_min3A_274 : vector<128xf32> to vector<128x1xf32>
    %eq3A_276 = vector.broadcast %broadcast_in_dim3A_275 : vector<128x1xf32> to vector<128x2048xf32>
    %eq3A_277 = arith.cmpf oeq, %select_n3A_272, %eq3A_276 : vector<128x2048xf32>
    %jit3A_278 = arith.constant 2048 : i32
    %broadcast_in_dim3A_279 = vector.broadcast %jit3A_278 : i32 to vector<128x2048xi32>
    %select_n3A_280 = arith.select %eq3A_277, %iota3A, %broadcast_in_dim3A_279 : vector<128x2048xi1>, vector<128x2048xi32>
    %reduce_min3A_281 = arith.constant dense<2147483647> : vector<128xi32>
    %reduce_min3A_282 = vector.multi_reduction <minsi>, %select_n3A_280, %reduce_min3A_281 [1] : vector<128x2048xi32> to vector<128xi32>
    %broadcast_in_dim3A_283 = vector.shape_cast %reduce_min3A_282 : vector<128xi32> to vector<128x1xi32>
    %eq3A_284 = vector.broadcast %broadcast_in_dim3A_283 : vector<128x1xi32> to vector<128x2048xi32>
    %eq3A_285 = arith.cmpi eq, %iota3A, %eq3A_284 : vector<128x2048xi32>
    %jit3A_286 = arith.constant 0x7F800000 : f32
    %broadcast_in_dim3A_287 = vector.broadcast %jit3A_286 : f32 to vector<128x2048xf32>
    %select_n3A_288 = arith.select %eq3A_285, %broadcast_in_dim3A_287, %select_n3A_272 : vector<128x2048xi1>, vector<128x2048xf32>
    %reduce_min3A_289 = arith.constant dense<0x7F800000> : vector<128xf32>
    %reduce_min3A_290 = vector.multi_reduction <minimumf>, %select_n3A_288, %reduce_min3A_289 [1] : vector<128x2048xf32> to vector<128xf32>
    %broadcast_in_dim3A_291 = vector.shape_cast %reduce_min3A_290 : vector<128xf32> to vector<128x1xf32>
    %eq3A_292 = vector.broadcast %broadcast_in_dim3A_291 : vector<128x1xf32> to vector<128x2048xf32>
    %eq3A_293 = arith.cmpf oeq, %select_n3A_288, %eq3A_292 : vector<128x2048xf32>
    %jit3A_294 = arith.constant 2048 : i32
    %broadcast_in_dim3A_295 = vector.broadcast %jit3A_294 : i32 to vector<128x2048xi32>
    %select_n3A_296 = arith.select %eq3A_293, %iota3A, %broadcast_in_dim3A_295 : vector<128x2048xi1>, vector<128x2048xi32>
    %reduce_min3A_297 = arith.constant dense<2147483647> : vector<128xi32>
    %reduce_min3A_298 = vector.multi_reduction <minsi>, %select_n3A_296, %reduce_min3A_297 [1] : vector<128x2048xi32> to vector<128xi32>
    %broadcast_in_dim3A_299 = vector.shape_cast %reduce_min3A_298 : vector<128xi32> to vector<128x1xi32>
    %eq3A_300 = vector.broadcast %broadcast_in_dim3A_299 : vector<128x1xi32> to vector<128x2048xi32>
    %eq3A_301 = arith.cmpi eq, %iota3A, %eq3A_300 : vector<128x2048xi32>
    %jit3A_302 = arith.constant 0x7F800000 : f32
    %broadcast_in_dim3A_303 = vector.broadcast %jit3A_302 : f32 to vector<128x2048xf32>
    %select_n3A_304 = arith.select %eq3A_301, %broadcast_in_dim3A_303, %select_n3A_288 : vector<128x2048xi1>, vector<128x2048xf32>
    %reduce_min3A_305 = arith.constant dense<0x7F800000> : vector<128xf32>
    %reduce_min3A_306 = vector.multi_reduction <minimumf>, %select_n3A_304, %reduce_min3A_305 [1] : vector<128x2048xf32> to vector<128xf32>
    %broadcast_in_dim3A_307 = vector.shape_cast %reduce_min3A_306 : vector<128xf32> to vector<128x1xf32>
    %eq3A_308 = vector.broadcast %broadcast_in_dim3A_307 : vector<128x1xf32> to vector<128x2048xf32>
    %eq3A_309 = arith.cmpf oeq, %select_n3A_304, %eq3A_308 : vector<128x2048xf32>
    %jit3A_310 = arith.constant 2048 : i32
    %broadcast_in_dim3A_311 = vector.broadcast %jit3A_310 : i32 to vector<128x2048xi32>
    %select_n3A_312 = arith.select %eq3A_309, %iota3A, %broadcast_in_dim3A_311 : vector<128x2048xi1>, vector<128x2048xi32>
    %reduce_min3A_313 = arith.constant dense<2147483647> : vector<128xi32>
    %reduce_min3A_314 = vector.multi_reduction <minsi>, %select_n3A_312, %reduce_min3A_313 [1] : vector<128x2048xi32> to vector<128xi32>
    %broadcast_in_dim3A_315 = vector.shape_cast %reduce_min3A_314 : vector<128xi32> to vector<128x1xi32>
    %eq3A_316 = vector.broadcast %broadcast_in_dim3A_315 : vector<128x1xi32> to vector<128x2048xi32>
    %eq3A_317 = arith.cmpi eq, %iota3A, %eq3A_316 : vector<128x2048xi32>
    %jit3A_318 = arith.constant 0x7F800000 : f32
    %broadcast_in_dim3A_319 = vector.broadcast %jit3A_318 : f32 to vector<128x2048xf32>
    %select_n3A_320 = arith.select %eq3A_317, %broadcast_in_dim3A_319, %select_n3A_304 : vector<128x2048xi1>, vector<128x2048xf32>
    %reduce_min3A_321 = arith.constant dense<0x7F800000> : vector<128xf32>
    %reduce_min3A_322 = vector.multi_reduction <minimumf>, %select_n3A_320, %reduce_min3A_321 [1] : vector<128x2048xf32> to vector<128xf32>
    %broadcast_in_dim3A_323 = vector.shape_cast %reduce_min3A_322 : vector<128xf32> to vector<128x1xf32>
    %eq3A_324 = vector.broadcast %broadcast_in_dim3A_323 : vector<128x1xf32> to vector<128x2048xf32>
    %eq3A_325 = arith.cmpf oeq, %select_n3A_320, %eq3A_324 : vector<128x2048xf32>
    %jit3A_326 = arith.constant 2048 : i32
    %broadcast_in_dim3A_327 = vector.broadcast %jit3A_326 : i32 to vector<128x2048xi32>
    %select_n3A_328 = arith.select %eq3A_325, %iota3A, %broadcast_in_dim3A_327 : vector<128x2048xi1>, vector<128x2048xi32>
    %reduce_min3A_329 = arith.constant dense<2147483647> : vector<128xi32>
    %reduce_min3A_330 = vector.multi_reduction <minsi>, %select_n3A_328, %reduce_min3A_329 [1] : vector<128x2048xi32> to vector<128xi32>
    %broadcast_in_dim3A_331 = vector.shape_cast %reduce_min3A_330 : vector<128xi32> to vector<128x1xi32>
    %eq3A_332 = vector.broadcast %broadcast_in_dim3A_331 : vector<128x1xi32> to vector<128x2048xi32>
    %eq3A_333 = arith.cmpi eq, %iota3A, %eq3A_332 : vector<128x2048xi32>
    %jit3A_334 = arith.constant 0x7F800000 : f32
    %broadcast_in_dim3A_335 = vector.broadcast %jit3A_334 : f32 to vector<128x2048xf32>
    %select_n3A_336 = arith.select %eq3A_333, %broadcast_in_dim3A_335, %select_n3A_320 : vector<128x2048xi1>, vector<128x2048xf32>
    %reduce_min3A_337 = arith.constant dense<0x7F800000> : vector<128xf32>
    %reduce_min3A_338 = vector.multi_reduction <minimumf>, %select_n3A_336, %reduce_min3A_337 [1] : vector<128x2048xf32> to vector<128xf32>
    %broadcast_in_dim3A_339 = vector.shape_cast %reduce_min3A_338 : vector<128xf32> to vector<128x1xf32>
    %eq3A_340 = vector.broadcast %broadcast_in_dim3A_339 : vector<128x1xf32> to vector<128x2048xf32>
    %eq3A_341 = arith.cmpf oeq, %select_n3A_336, %eq3A_340 : vector<128x2048xf32>
    %jit3A_342 = arith.constant 2048 : i32
    %broadcast_in_dim3A_343 = vector.broadcast %jit3A_342 : i32 to vector<128x2048xi32>
    %select_n3A_344 = arith.select %eq3A_341, %iota3A, %broadcast_in_dim3A_343 : vector<128x2048xi1>, vector<128x2048xi32>
    %reduce_min3A_345 = arith.constant dense<2147483647> : vector<128xi32>
    %reduce_min3A_346 = vector.multi_reduction <minsi>, %select_n3A_344, %reduce_min3A_345 [1] : vector<128x2048xi32> to vector<128xi32>
    %broadcast_in_dim3A_347 = vector.shape_cast %reduce_min3A_346 : vector<128xi32> to vector<128x1xi32>
    %eq3A_348 = vector.broadcast %broadcast_in_dim3A_347 : vector<128x1xi32> to vector<128x2048xi32>
    %eq3A_349 = arith.cmpi eq, %iota3A, %eq3A_348 : vector<128x2048xi32>
    %jit3A_350 = arith.constant 0x7F800000 : f32
    %broadcast_in_dim3A_351 = vector.broadcast %jit3A_350 : f32 to vector<128x2048xf32>
    %select_n3A_352 = arith.select %eq3A_349, %broadcast_in_dim3A_351, %select_n3A_336 : vector<128x2048xi1>, vector<128x2048xf32>
    %reduce_min3A_353 = arith.constant dense<0x7F800000> : vector<128xf32>
    %reduce_min3A_354 = vector.multi_reduction <minimumf>, %select_n3A_352, %reduce_min3A_353 [1] : vector<128x2048xf32> to vector<128xf32>
    %broadcast_in_dim3A_355 = vector.shape_cast %reduce_min3A_354 : vector<128xf32> to vector<128x1xf32>
    %eq3A_356 = vector.broadcast %broadcast_in_dim3A_355 : vector<128x1xf32> to vector<128x2048xf32>
    %eq3A_357 = arith.cmpf oeq, %select_n3A_352, %eq3A_356 : vector<128x2048xf32>
    %jit3A_358 = arith.constant 2048 : i32
    %broadcast_in_dim3A_359 = vector.broadcast %jit3A_358 : i32 to vector<128x2048xi32>
    %select_n3A_360 = arith.select %eq3A_357, %iota3A, %broadcast_in_dim3A_359 : vector<128x2048xi1>, vector<128x2048xi32>
    %reduce_min3A_361 = arith.constant dense<2147483647> : vector<128xi32>
    %reduce_min3A_362 = vector.multi_reduction <minsi>, %select_n3A_360, %reduce_min3A_361 [1] : vector<128x2048xi32> to vector<128xi32>
    %broadcast_in_dim3A_363 = vector.shape_cast %reduce_min3A_362 : vector<128xi32> to vector<128x1xi32>
    %eq3A_364 = vector.broadcast %broadcast_in_dim3A_363 : vector<128x1xi32> to vector<128x2048xi32>
    %eq3A_365 = arith.cmpi eq, %iota3A, %eq3A_364 : vector<128x2048xi32>
    %jit3A_366 = arith.constant 0x7F800000 : f32
    %broadcast_in_dim3A_367 = vector.broadcast %jit3A_366 : f32 to vector<128x2048xf32>
    %select_n3A_368 = arith.select %eq3A_365, %broadcast_in_dim3A_367, %select_n3A_352 : vector<128x2048xi1>, vector<128x2048xf32>
    %reduce_min3A_369 = arith.constant dense<0x7F800000> : vector<128xf32>
    %reduce_min3A_370 = vector.multi_reduction <minimumf>, %select_n3A_368, %reduce_min3A_369 [1] : vector<128x2048xf32> to vector<128xf32>
    %broadcast_in_dim3A_371 = vector.shape_cast %reduce_min3A_370 : vector<128xf32> to vector<128x1xf32>
    %eq3A_372 = vector.broadcast %broadcast_in_dim3A_371 : vector<128x1xf32> to vector<128x2048xf32>
    %eq3A_373 = arith.cmpf oeq, %select_n3A_368, %eq3A_372 : vector<128x2048xf32>
    %jit3A_374 = arith.constant 2048 : i32
    %broadcast_in_dim3A_375 = vector.broadcast %jit3A_374 : i32 to vector<128x2048xi32>
    %select_n3A_376 = arith.select %eq3A_373, %iota3A, %broadcast_in_dim3A_375 : vector<128x2048xi1>, vector<128x2048xi32>
    %reduce_min3A_377 = arith.constant dense<2147483647> : vector<128xi32>
    %reduce_min3A_378 = vector.multi_reduction <minsi>, %select_n3A_376, %reduce_min3A_377 [1] : vector<128x2048xi32> to vector<128xi32>
    %broadcast_in_dim3A_379 = vector.shape_cast %reduce_min3A_378 : vector<128xi32> to vector<128x1xi32>
    %eq3A_380 = vector.broadcast %broadcast_in_dim3A_379 : vector<128x1xi32> to vector<128x2048xi32>
    %eq3A_381 = arith.cmpi eq, %iota3A, %eq3A_380 : vector<128x2048xi32>
    %jit3A_382 = arith.constant 0x7F800000 : f32
    %broadcast_in_dim3A_383 = vector.broadcast %jit3A_382 : f32 to vector<128x2048xf32>
    %select_n3A_384 = arith.select %eq3A_381, %broadcast_in_dim3A_383, %select_n3A_368 : vector<128x2048xi1>, vector<128x2048xf32>
    %reduce_min3A_385 = arith.constant dense<0x7F800000> : vector<128xf32>
    %reduce_min3A_386 = vector.multi_reduction <minimumf>, %select_n3A_384, %reduce_min3A_385 [1] : vector<128x2048xf32> to vector<128xf32>
    %broadcast_in_dim3A_387 = vector.shape_cast %reduce_min3A_386 : vector<128xf32> to vector<128x1xf32>
    %eq3A_388 = vector.broadcast %broadcast_in_dim3A_387 : vector<128x1xf32> to vector<128x2048xf32>
    %eq3A_389 = arith.cmpf oeq, %select_n3A_384, %eq3A_388 : vector<128x2048xf32>
    %jit3A_390 = arith.constant 2048 : i32
    %broadcast_in_dim3A_391 = vector.broadcast %jit3A_390 : i32 to vector<128x2048xi32>
    %select_n3A_392 = arith.select %eq3A_389, %iota3A, %broadcast_in_dim3A_391 : vector<128x2048xi1>, vector<128x2048xi32>
    %reduce_min3A_393 = arith.constant dense<2147483647> : vector<128xi32>
    %reduce_min3A_394 = vector.multi_reduction <minsi>, %select_n3A_392, %reduce_min3A_393 [1] : vector<128x2048xi32> to vector<128xi32>
    %broadcast_in_dim3A_395 = vector.shape_cast %reduce_min3A_394 : vector<128xi32> to vector<128x1xi32>
    %eq3A_396 = vector.broadcast %broadcast_in_dim3A_395 : vector<128x1xi32> to vector<128x2048xi32>
    %eq3A_397 = arith.cmpi eq, %iota3A, %eq3A_396 : vector<128x2048xi32>
    %jit3A_398 = arith.constant 0x7F800000 : f32
    %broadcast_in_dim3A_399 = vector.broadcast %jit3A_398 : f32 to vector<128x2048xf32>
    %select_n3A_400 = arith.select %eq3A_397, %broadcast_in_dim3A_399, %select_n3A_384 : vector<128x2048xi1>, vector<128x2048xf32>
    %reduce_min3A_401 = arith.constant dense<0x7F800000> : vector<128xf32>
    %reduce_min3A_402 = vector.multi_reduction <minimumf>, %select_n3A_400, %reduce_min3A_401 [1] : vector<128x2048xf32> to vector<128xf32>
    %broadcast_in_dim3A_403 = vector.shape_cast %reduce_min3A_402 : vector<128xf32> to vector<128x1xf32>
    %eq3A_404 = vector.broadcast %broadcast_in_dim3A_403 : vector<128x1xf32> to vector<128x2048xf32>
    %eq3A_405 = arith.cmpf oeq, %select_n3A_400, %eq3A_404 : vector<128x2048xf32>
    %jit3A_406 = arith.constant 2048 : i32
    %broadcast_in_dim3A_407 = vector.broadcast %jit3A_406 : i32 to vector<128x2048xi32>
    %select_n3A_408 = arith.select %eq3A_405, %iota3A, %broadcast_in_dim3A_407 : vector<128x2048xi1>, vector<128x2048xi32>
    %reduce_min3A_409 = arith.constant dense<2147483647> : vector<128xi32>
    %reduce_min3A_410 = vector.multi_reduction <minsi>, %select_n3A_408, %reduce_min3A_409 [1] : vector<128x2048xi32> to vector<128xi32>
    %broadcast_in_dim3A_411 = vector.shape_cast %reduce_min3A_410 : vector<128xi32> to vector<128x1xi32>
    %eq3A_412 = vector.broadcast %broadcast_in_dim3A_411 : vector<128x1xi32> to vector<128x2048xi32>
    %eq3A_413 = arith.cmpi eq, %iota3A, %eq3A_412 : vector<128x2048xi32>
    %jit3A_414 = arith.constant 0x7F800000 : f32
    %broadcast_in_dim3A_415 = vector.broadcast %jit3A_414 : f32 to vector<128x2048xf32>
    %select_n3A_416 = arith.select %eq3A_413, %broadcast_in_dim3A_415, %select_n3A_400 : vector<128x2048xi1>, vector<128x2048xf32>
    %reduce_min3A_417 = arith.constant dense<0x7F800000> : vector<128xf32>
    %reduce_min3A_418 = vector.multi_reduction <minimumf>, %select_n3A_416, %reduce_min3A_417 [1] : vector<128x2048xf32> to vector<128xf32>
    %broadcast_in_dim3A_419 = vector.shape_cast %reduce_min3A_418 : vector<128xf32> to vector<128x1xf32>
    %eq3A_420 = vector.broadcast %broadcast_in_dim3A_419 : vector<128x1xf32> to vector<128x2048xf32>
    %eq3A_421 = arith.cmpf oeq, %select_n3A_416, %eq3A_420 : vector<128x2048xf32>
    %jit3A_422 = arith.constant 2048 : i32
    %broadcast_in_dim3A_423 = vector.broadcast %jit3A_422 : i32 to vector<128x2048xi32>
    %select_n3A_424 = arith.select %eq3A_421, %iota3A, %broadcast_in_dim3A_423 : vector<128x2048xi1>, vector<128x2048xi32>
    %reduce_min3A_425 = arith.constant dense<2147483647> : vector<128xi32>
    %reduce_min3A_426 = vector.multi_reduction <minsi>, %select_n3A_424, %reduce_min3A_425 [1] : vector<128x2048xi32> to vector<128xi32>
    %broadcast_in_dim3A_427 = vector.shape_cast %reduce_min3A_426 : vector<128xi32> to vector<128x1xi32>
    %eq3A_428 = vector.broadcast %broadcast_in_dim3A_427 : vector<128x1xi32> to vector<128x2048xi32>
    %eq3A_429 = arith.cmpi eq, %iota3A, %eq3A_428 : vector<128x2048xi32>
    %jit3A_430 = arith.constant 0x7F800000 : f32
    %broadcast_in_dim3A_431 = vector.broadcast %jit3A_430 : f32 to vector<128x2048xf32>
    %select_n3A_432 = arith.select %eq3A_429, %broadcast_in_dim3A_431, %select_n3A_416 : vector<128x2048xi1>, vector<128x2048xf32>
    %reduce_min3A_433 = arith.constant dense<0x7F800000> : vector<128xf32>
    %reduce_min3A_434 = vector.multi_reduction <minimumf>, %select_n3A_432, %reduce_min3A_433 [1] : vector<128x2048xf32> to vector<128xf32>
    %broadcast_in_dim3A_435 = vector.shape_cast %reduce_min3A_434 : vector<128xf32> to vector<128x1xf32>
    %eq3A_436 = vector.broadcast %broadcast_in_dim3A_435 : vector<128x1xf32> to vector<128x2048xf32>
    %eq3A_437 = arith.cmpf oeq, %select_n3A_432, %eq3A_436 : vector<128x2048xf32>
    %jit3A_438 = arith.constant 2048 : i32
    %broadcast_in_dim3A_439 = vector.broadcast %jit3A_438 : i32 to vector<128x2048xi32>
    %select_n3A_440 = arith.select %eq3A_437, %iota3A, %broadcast_in_dim3A_439 : vector<128x2048xi1>, vector<128x2048xi32>
    %reduce_min3A_441 = arith.constant dense<2147483647> : vector<128xi32>
    %reduce_min3A_442 = vector.multi_reduction <minsi>, %select_n3A_440, %reduce_min3A_441 [1] : vector<128x2048xi32> to vector<128xi32>
    %broadcast_in_dim3A_443 = vector.shape_cast %reduce_min3A_442 : vector<128xi32> to vector<128x1xi32>
    %eq3A_444 = vector.broadcast %broadcast_in_dim3A_443 : vector<128x1xi32> to vector<128x2048xi32>
    %eq3A_445 = arith.cmpi eq, %iota3A, %eq3A_444 : vector<128x2048xi32>
    %jit3A_446 = arith.constant 0x7F800000 : f32
    %broadcast_in_dim3A_447 = vector.broadcast %jit3A_446 : f32 to vector<128x2048xf32>
    %select_n3A_448 = arith.select %eq3A_445, %broadcast_in_dim3A_447, %select_n3A_432 : vector<128x2048xi1>, vector<128x2048xf32>
    %reduce_min3A_449 = arith.constant dense<0x7F800000> : vector<128xf32>
    %reduce_min3A_450 = vector.multi_reduction <minimumf>, %select_n3A_448, %reduce_min3A_449 [1] : vector<128x2048xf32> to vector<128xf32>
    %broadcast_in_dim3A_451 = vector.shape_cast %reduce_min3A_450 : vector<128xf32> to vector<128x1xf32>
    %eq3A_452 = vector.broadcast %broadcast_in_dim3A_451 : vector<128x1xf32> to vector<128x2048xf32>
    %eq3A_453 = arith.cmpf oeq, %select_n3A_448, %eq3A_452 : vector<128x2048xf32>
    %jit3A_454 = arith.constant 2048 : i32
    %broadcast_in_dim3A_455 = vector.broadcast %jit3A_454 : i32 to vector<128x2048xi32>
    %select_n3A_456 = arith.select %eq3A_453, %iota3A, %broadcast_in_dim3A_455 : vector<128x2048xi1>, vector<128x2048xi32>
    %reduce_min3A_457 = arith.constant dense<2147483647> : vector<128xi32>
    %reduce_min3A_458 = vector.multi_reduction <minsi>, %select_n3A_456, %reduce_min3A_457 [1] : vector<128x2048xi32> to vector<128xi32>
    %broadcast_in_dim3A_459 = vector.shape_cast %reduce_min3A_458 : vector<128xi32> to vector<128x1xi32>
    %eq3A_460 = vector.broadcast %broadcast_in_dim3A_459 : vector<128x1xi32> to vector<128x2048xi32>
    %eq3A_461 = arith.cmpi eq, %iota3A, %eq3A_460 : vector<128x2048xi32>
    %jit3A_462 = arith.constant 0x7F800000 : f32
    %broadcast_in_dim3A_463 = vector.broadcast %jit3A_462 : f32 to vector<128x2048xf32>
    %select_n3A_464 = arith.select %eq3A_461, %broadcast_in_dim3A_463, %select_n3A_448 : vector<128x2048xi1>, vector<128x2048xf32>
    %reduce_min3A_465 = arith.constant dense<0x7F800000> : vector<128xf32>
    %reduce_min3A_466 = vector.multi_reduction <minimumf>, %select_n3A_464, %reduce_min3A_465 [1] : vector<128x2048xf32> to vector<128xf32>
    %broadcast_in_dim3A_467 = vector.shape_cast %reduce_min3A_466 : vector<128xf32> to vector<128x1xf32>
    %eq3A_468 = vector.broadcast %broadcast_in_dim3A_467 : vector<128x1xf32> to vector<128x2048xf32>
    %eq3A_469 = arith.cmpf oeq, %select_n3A_464, %eq3A_468 : vector<128x2048xf32>
    %jit3A_470 = arith.constant 2048 : i32
    %broadcast_in_dim3A_471 = vector.broadcast %jit3A_470 : i32 to vector<128x2048xi32>
    %select_n3A_472 = arith.select %eq3A_469, %iota3A, %broadcast_in_dim3A_471 : vector<128x2048xi1>, vector<128x2048xi32>
    %reduce_min3A_473 = arith.constant dense<2147483647> : vector<128xi32>
    %reduce_min3A_474 = vector.multi_reduction <minsi>, %select_n3A_472, %reduce_min3A_473 [1] : vector<128x2048xi32> to vector<128xi32>
    %broadcast_in_dim3A_475 = vector.shape_cast %reduce_min3A_474 : vector<128xi32> to vector<128x1xi32>
    %eq3A_476 = vector.broadcast %broadcast_in_dim3A_475 : vector<128x1xi32> to vector<128x2048xi32>
    %eq3A_477 = arith.cmpi eq, %iota3A, %eq3A_476 : vector<128x2048xi32>
    %jit3A_478 = arith.constant 0x7F800000 : f32
    %broadcast_in_dim3A_479 = vector.broadcast %jit3A_478 : f32 to vector<128x2048xf32>
    %select_n3A_480 = arith.select %eq3A_477, %broadcast_in_dim3A_479, %select_n3A_464 : vector<128x2048xi1>, vector<128x2048xf32>
    %reduce_min3A_481 = arith.constant dense<0x7F800000> : vector<128xf32>
    %reduce_min3A_482 = vector.multi_reduction <minimumf>, %select_n3A_480, %reduce_min3A_481 [1] : vector<128x2048xf32> to vector<128xf32>
    %broadcast_in_dim3A_483 = vector.shape_cast %reduce_min3A_482 : vector<128xf32> to vector<128x1xf32>
    %eq3A_484 = vector.broadcast %broadcast_in_dim3A_483 : vector<128x1xf32> to vector<128x2048xf32>
    %eq3A_485 = arith.cmpf oeq, %select_n3A_480, %eq3A_484 : vector<128x2048xf32>
    %jit3A_486 = arith.constant 2048 : i32
    %broadcast_in_dim3A_487 = vector.broadcast %jit3A_486 : i32 to vector<128x2048xi32>
    %select_n3A_488 = arith.select %eq3A_485, %iota3A, %broadcast_in_dim3A_487 : vector<128x2048xi1>, vector<128x2048xi32>
    %reduce_min3A_489 = arith.constant dense<2147483647> : vector<128xi32>
    %reduce_min3A_490 = vector.multi_reduction <minsi>, %select_n3A_488, %reduce_min3A_489 [1] : vector<128x2048xi32> to vector<128xi32>
    %broadcast_in_dim3A_491 = vector.shape_cast %reduce_min3A_490 : vector<128xi32> to vector<128x1xi32>
    %eq3A_492 = vector.broadcast %broadcast_in_dim3A_491 : vector<128x1xi32> to vector<128x2048xi32>
    %eq3A_493 = arith.cmpi eq, %iota3A, %eq3A_492 : vector<128x2048xi32>
    %jit3A_494 = arith.constant 0x7F800000 : f32
    %broadcast_in_dim3A_495 = vector.broadcast %jit3A_494 : f32 to vector<128x2048xf32>
    %select_n3A_496 = arith.select %eq3A_493, %broadcast_in_dim3A_495, %select_n3A_480 : vector<128x2048xi1>, vector<128x2048xf32>
    %reduce_min3A_497 = arith.constant dense<0x7F800000> : vector<128xf32>
    %reduce_min3A_498 = vector.multi_reduction <minimumf>, %select_n3A_496, %reduce_min3A_497 [1] : vector<128x2048xf32> to vector<128xf32>
    %broadcast_in_dim3A_499 = vector.shape_cast %reduce_min3A_498 : vector<128xf32> to vector<128x1xf32>
    %eq3A_500 = vector.broadcast %broadcast_in_dim3A_499 : vector<128x1xf32> to vector<128x2048xf32>
    %eq3A_501 = arith.cmpf oeq, %select_n3A_496, %eq3A_500 : vector<128x2048xf32>
    %jit3A_502 = arith.constant 2048 : i32
    %broadcast_in_dim3A_503 = vector.broadcast %jit3A_502 : i32 to vector<128x2048xi32>
    %select_n3A_504 = arith.select %eq3A_501, %iota3A, %broadcast_in_dim3A_503 : vector<128x2048xi1>, vector<128x2048xi32>
    %reduce_min3A_505 = arith.constant dense<2147483647> : vector<128xi32>
    %reduce_min3A_506 = vector.multi_reduction <minsi>, %select_n3A_504, %reduce_min3A_505 [1] : vector<128x2048xi32> to vector<128xi32>
    %broadcast_in_dim3A_507 = vector.shape_cast %reduce_min3A_506 : vector<128xi32> to vector<128x1xi32>
    %eq3A_508 = vector.broadcast %broadcast_in_dim3A_507 : vector<128x1xi32> to vector<128x2048xi32>
    %eq3A_509 = arith.cmpi eq, %iota3A, %eq3A_508 : vector<128x2048xi32>
    %jit3A_510 = arith.constant 0x7F800000 : f32
    %broadcast_in_dim3A_511 = vector.broadcast %jit3A_510 : f32 to vector<128x2048xf32>
    %select_n3A_512 = arith.select %eq3A_509, %broadcast_in_dim3A_511, %select_n3A_496 : vector<128x2048xi1>, vector<128x2048xf32>
    %reduce_min3A_513 = arith.constant dense<0x7F800000> : vector<128xf32>
    %reduce_min3A_514 = vector.multi_reduction <minimumf>, %select_n3A_512, %reduce_min3A_513 [1] : vector<128x2048xf32> to vector<128xf32>
    %broadcast_in_dim3A_515 = vector.shape_cast %reduce_min3A_514 : vector<128xf32> to vector<128x1xf32>
    %eq3A_516 = vector.broadcast %broadcast_in_dim3A_515 : vector<128x1xf32> to vector<128x2048xf32>
    %eq3A_517 = arith.cmpf oeq, %select_n3A_512, %eq3A_516 : vector<128x2048xf32>
    %jit3A_518 = arith.constant 2048 : i32
    %broadcast_in_dim3A_519 = vector.broadcast %jit3A_518 : i32 to vector<128x2048xi32>
    %select_n3A_520 = arith.select %eq3A_517, %iota3A, %broadcast_in_dim3A_519 : vector<128x2048xi1>, vector<128x2048xi32>
    %reduce_min3A_521 = arith.constant dense<2147483647> : vector<128xi32>
    %reduce_min3A_522 = vector.multi_reduction <minsi>, %select_n3A_520, %reduce_min3A_521 [1] : vector<128x2048xi32> to vector<128xi32>
    %broadcast_in_dim3A_523 = vector.shape_cast %reduce_min3A_522 : vector<128xi32> to vector<128x1xi32>
    %concatenate3A = tpu.concatenate %broadcast_in_dim3A_27, %broadcast_in_dim3A_43, %broadcast_in_dim3A_59, %broadcast_in_dim3A_75, %broadcast_in_dim3A_91, %broadcast_in_dim3A_107, %broadcast_in_dim3A_123, %broadcast_in_dim3A_139, %broadcast_in_dim3A_155, %broadcast_in_dim3A_171, %broadcast_in_dim3A_187, %broadcast_in_dim3A_203, %broadcast_in_dim3A_219, %broadcast_in_dim3A_235, %broadcast_in_dim3A_251, %broadcast_in_dim3A_267, %broadcast_in_dim3A_283, %broadcast_in_dim3A_299, %broadcast_in_dim3A_315, %broadcast_in_dim3A_331, %broadcast_in_dim3A_347, %broadcast_in_dim3A_363, %broadcast_in_dim3A_379, %broadcast_in_dim3A_395, %broadcast_in_dim3A_411, %broadcast_in_dim3A_427, %broadcast_in_dim3A_443, %broadcast_in_dim3A_459, %broadcast_in_dim3A_475, %broadcast_in_dim3A_491, %broadcast_in_dim3A_507, %broadcast_in_dim3A_523 in 1 : vector<128x1xi32>, vector<128x1xi32>, vector<128x1xi32>, vector<128x1xi32>, vector<128x1xi32>, vector<128x1xi32>, vector<128x1xi32>, vector<128x1xi32>, vector<128x1xi32>, vector<128x1xi32>, vector<128x1xi32>, vector<128x1xi32>, vector<128x1xi32>, vector<128x1xi32>, vector<128x1xi32>, vector<128x1xi32>, vector<128x1xi32>, vector<128x1xi32>, vector<128x1xi32>, vector<128x1xi32>, vector<128x1xi32>, vector<128x1xi32>, vector<128x1xi32>, vector<128x1xi32>, vector<128x1xi32>, vector<128x1xi32>, vector<128x1xi32>, vector<128x1xi32>, vector<128x1xi32>, vector<128x1xi32>, vector<128x1xi32>, vector<128x1xi32> -> vector<128x32xi32>
    %mul3A_524 = arith.constant 2048 : i32
    %mul3A_525 = arith.muli %arg0, %mul3A_524 : i32
    %add3A_526 = vector.broadcast %mul3A_525 : i32 to vector<128x32xi32>
    %add3A_527 = arith.addi %concatenate3A, %add3A_526 : vector<128x32xi32>
    %swap3A = arith.constant 0 : index
    %swap3A_528 = arith.constant 0 : index
    %swap3A_529 = arith.constant 0 : index
    %swap3A_530 = vector.load %arg4[%swap3A, %swap3A_528, %swap3A_529] : memref<1x128x32xi32, #tpu.memory_space<vmem>>, vector<1x128x32xi32>
    %swap3A_531 = vector.shape_cast %swap3A_530 : vector<1x128x32xi32> to vector<128x32xi32>
    %swap3A_532 = vector.shape_cast %add3A_527 : vector<128x32xi32> to vector<1x128x32xi32>
    tpu.vector_store %arg4[%swap3A, %swap3A_528, %swap3A_529], %swap3A_532 {strides = array<i32>} : memref<1x128x32xi32, #tpu.memory_space<vmem>>, vector<1x128x32xi32>,
    return
  }
  func.func @transform_0(%arg0: i32, %arg1: i32) -> (i32, i32, i32) {
    %c0_i32 = arith.constant 0 : i32
    %c0_i32_0 = arith.constant 0 : i32
    return %arg0, %arg1, %c0_i32 : i32, i32, i32
  }
  func.func @transform_1(%arg0: i32, %arg1: i32) -> (i32, i32, i32) {
    %c0_i32 = arith.constant 0 : i32
    %c0_i32_0 = arith.constant 0 : i32
    %c0_i32_1 = arith.constant 0 : i32
    return %arg0, %c0_i32, %c0_i32_0 : i32, i32, i32
  }
  func.func @transform_2(%arg0: i32, %arg1: i32) -> (i32, i32, i32) {
    %c0_i32 = arith.constant 0 : i32
    %c0_i32_0 = arith.constant 0 : i32
    return %arg0, %arg1, %c0_i32 : i32, i32, i32
  }
}

module attributes {stable_mosaic.version = 14 : i64} {
  func.func @_density_body(%arg0: i32, %arg1: i32, %arg2: memref<1x256x3xf32, #tpu.memory_space<vmem>>, %arg3: memref<1x3x2048xf32, #tpu.memory_space<vmem>>, %arg4: memref<1x256x1xf32, #tpu.memory_space<vmem>>) attributes {dimension_semantics = [#tpu.dimension_semantics<arbitrary>, #tpu.dimension_semantics<arbitrary>], iteration_bounds = array<i64: 8, 8>, scalar_prefetch = 0 : i64, scratch_operands = 0 : i64, tpu.core_type = #tpu.core_type<tc>, window_params = [{transform_indices = @transform_0, window_bounds = array<i64: 1, 256, 3>}, {transform_indices = @transform_1, window_bounds = array<i64: 1, 3, 2048>}, {transform_indices = @transform_2, window_bounds = array<i64: 1, 256, 1>}]} {
    %get3A = arith.constant 0 : index
    %get3A_0 = arith.constant 0 : index
    %get3A_1 = arith.constant 0 : index
    %get3A_2 = vector.load %arg2[%get3A, %get3A_0, %get3A_1] : memref<1x256x3xf32, #tpu.memory_space<vmem>>, vector<1x256x3xf32>
    %get3A_3 = vector.shape_cast %get3A_2 : vector<1x256x3xf32> to vector<256x3xf32>
    %get3A_4 = arith.constant 0 : index
    %get3A_5 = arith.constant 0 : index
    %get3A_6 = arith.constant 0 : index
    %get3A_7 = vector.load %arg3[%get3A_4, %get3A_5, %get3A_6] : memref<1x3x2048xf32, #tpu.memory_space<vmem>>, vector<1x3x2048xf32>
    %get3A_8 = vector.shape_cast %get3A_7 : vector<1x3x2048xf32> to vector<3x2048xf32>
    %dot_general3A = arith.constant dense<0.000000e+00> : vector<256x2048xf32>
    %dot_general3A_9 = tpu.matmul %get3A_3, %get3A_8, %dot_general3A {dimension_numbers = #tpu.dot_dimension_numbers<[1], [0], [0], [1], [0, 0, 1, 1], [], []>, transpose_lhs_hint = false} : vector<256x3xf32>, vector<3x2048xf32>, vector<256x2048xf32> -> vector<256x2048xf32>
    %mul3A = arith.mulf %get3A_3, %get3A_3 : vector<256x3xf32>
    %reduce_sum3A = arith.constant dense<0.000000e+00> : vector<256xf32>
    %reduce_sum3A_10 = vector.multi_reduction <add>, %mul3A, %reduce_sum3A [1] : vector<256x3xf32> to vector<256xf32>
    %broadcast_in_dim3A = vector.shape_cast %reduce_sum3A_10 : vector<256xf32> to vector<256x1xf32>
    %mul3A_11 = arith.mulf %get3A_8, %get3A_8 : vector<3x2048xf32>
    %reduce_sum3A_12 = arith.constant dense<0.000000e+00> : vector<2048xf32>
    %reduce_sum3A_13 = vector.multi_reduction <add>, %mul3A_11, %reduce_sum3A_12 [0] : vector<3x2048xf32> to vector<2048xf32>
    %broadcast_in_dim3A_14 = vector.shape_cast %reduce_sum3A_13 : vector<2048xf32> to vector<1x2048xf32>
    %mul3A_15 = arith.constant -2.000000e+00 : f32
    %mul3A_16 = vector.broadcast %mul3A_15 : f32 to vector<256x2048xf32>
    %mul3A_17 = arith.mulf %mul3A_16, %dot_general3A_9 : vector<256x2048xf32>
    %add3A = vector.broadcast %broadcast_in_dim3A : vector<256x1xf32> to vector<256x2048xf32>
    %add3A_18 = arith.addf %mul3A_17, %add3A : vector<256x2048xf32>
    %add3A_19 = vector.broadcast %broadcast_in_dim3A_14 : vector<1x2048xf32> to vector<256x2048xf32>
    %add3A_20 = arith.addf %add3A_18, %add3A_19 : vector<256x2048xf32>
    %mul3A_21 = arith.constant -2.000000e-02 : f32
    %mul3A_22 = vector.broadcast %mul3A_21 : f32 to vector<256x2048xf32>
    %mul3A_23 = arith.mulf %add3A_20, %mul3A_22 : vector<256x2048xf32>
    %exp3A = math.exp %mul3A_23 : vector<256x2048xf32>
    %reduce_sum3A_24 = arith.constant dense<0.000000e+00> : vector<256xf32>
    %reduce_sum3A_25 = vector.multi_reduction <add>, %exp3A, %reduce_sum3A_24 [1] : vector<256x2048xf32> to vector<256xf32>
    %broadcast_in_dim3A_26 = vector.shape_cast %reduce_sum3A_25 : vector<256xf32> to vector<256x1xf32>
    %mul3A_27 = arith.constant 0.001953125 : f32
    %mul3A_28 = vector.broadcast %mul3A_27 : f32 to vector<256x1xf32>
    %mul3A_29 = arith.mulf %broadcast_in_dim3A_26, %mul3A_28 : vector<256x1xf32>
    %div3A = arith.constant 1.000000e+00 : f32
    %div3A_30 = vector.broadcast %div3A : f32 to vector<256x1xf32>
    %div3A_31 = arith.divf %div3A_30, %mul3A_29 : vector<256x1xf32>
    %swap3A = arith.constant 0 : index
    %swap3A_32 = arith.constant 0 : index
    %swap3A_33 = arith.constant 0 : index
    %swap3A_34 = vector.load %arg4[%swap3A, %swap3A_32, %swap3A_33] : memref<1x256x1xf32, #tpu.memory_space<vmem>>, vector<1x256x1xf32>
    %swap3A_35 = vector.shape_cast %swap3A_34 : vector<1x256x1xf32> to vector<256x1xf32>
    %swap3A_36 = vector.shape_cast %div3A_31 : vector<256x1xf32> to vector<1x256x1xf32>
    tpu.vector_store %arg4[%swap3A, %swap3A_32, %swap3A_33], %swap3A_36 {strides = array<i32>} : memref<1x256x1xf32, #tpu.memory_space<vmem>>, vector<1x256x1xf32>,
    return
  }
  func.func @transform_0(%arg0: i32, %arg1: i32) -> (i32, i32, i32) {
    %c0_i32 = arith.constant 0 : i32
    %c0_i32_0 = arith.constant 0 : i32
    return %arg0, %arg1, %c0_i32 : i32, i32, i32
  }
  func.func @transform_1(%arg0: i32, %arg1: i32) -> (i32, i32, i32) {
    %c0_i32 = arith.constant 0 : i32
    %c0_i32_0 = arith.constant 0 : i32
    %c0_i32_1 = arith.constant 0 : i32
    return %arg0, %c0_i32, %c0_i32_0 : i32, i32, i32
  }
  func.func @transform_2(%arg0: i32, %arg1: i32) -> (i32, i32, i32) {
    %c0_i32 = arith.constant 0 : i32
    %c0_i32_0 = arith.constant 0 : i32
    return %arg0, %arg1, %c0_i32 : i32, i32, i32
  }
}

module attributes {stable_mosaic.version = 14 : i64} {
  func.func @_p1_body(%arg0: i32, %arg1: memref<2048x80xf32, #tpu.memory_space<vmem>>, %arg2: memref<2048x3xf32, #tpu.memory_space<vmem>>, %arg3: memref<80x64xf32, #tpu.memory_space<vmem>>, %arg4: memref<1x64xf32, #tpu.memory_space<vmem>>, %arg5: memref<3x8xf32, #tpu.memory_space<vmem>>, %arg6: memref<2048x64xf32, #tpu.memory_space<vmem>>, %arg7: memref<2048x8xf32, #tpu.memory_space<vmem>>, %arg8: memref<2048x1xf32, #tpu.memory_space<vmem>>, %arg9: memref<8x64xf32, #tpu.memory_space<vmem>>, %arg10: memref<8x8xf32, #tpu.memory_space<vmem>>) attributes {dimension_semantics = [#tpu.dimension_semantics<arbitrary>], iteration_bounds = array<i64: 64>, scalar_prefetch = 0 : i64, scratch_operands = 0 : i64, tpu.core_type = #tpu.core_type<tc>, window_params = [{transform_indices = @transform_0, window_bounds = array<i64: 2048, 80>}, {transform_indices = @transform_1, window_bounds = array<i64: 2048, 3>}, {pipeline_mode = #tpu.pipeline_mode<synchronous>, transform_indices = @transform_2, window_bounds = array<i64: 80, 64>}, {pipeline_mode = #tpu.pipeline_mode<synchronous>, transform_indices = @transform_3, window_bounds = array<i64: 1, 64>}, {pipeline_mode = #tpu.pipeline_mode<synchronous>, transform_indices = @transform_4, window_bounds = array<i64: 3, 8>}, {transform_indices = @transform_5, window_bounds = array<i64: 2048, 64>}, {transform_indices = @transform_6, window_bounds = array<i64: 2048, 8>}, {transform_indices = @transform_7, window_bounds = array<i64: 2048, 1>}, {pipeline_mode = #tpu.pipeline_mode<synchronous>, transform_indices = @transform_8, window_bounds = array<i64: 8, 64>}, {pipeline_mode = #tpu.pipeline_mode<synchronous>, transform_indices = @transform_9, window_bounds = array<i64: 8, 8>}]} {
    %get3A = arith.constant 0 : index
    %get3A_0 = arith.constant 0 : index
    %get3A_1 = vector.load %arg1[%get3A, %get3A_0] : memref<2048x80xf32, #tpu.memory_space<vmem>>, vector<2048x80xf32>
    %get3A_2 = arith.constant 0 : index
    %get3A_3 = arith.constant 0 : index
    %get3A_4 = vector.load %arg2[%get3A_2, %get3A_3] : memref<2048x3xf32, #tpu.memory_space<vmem>>, vector<2048x3xf32>
    %broadcast_in_dim3A = arith.constant 0.000000e+00 : f32
    %broadcast_in_dim3A_5 = vector.broadcast %broadcast_in_dim3A : f32 to vector<2048x77xf32>
    %concatenate3A = tpu.concatenate %get3A_4, %broadcast_in_dim3A_5 in 1 : vector<2048x3xf32>, vector<2048x77xf32> -> vector<2048x80xf32>
    %sub3A = arith.subf %get3A_1, %concatenate3A : vector<2048x80xf32>
    %get3A_6 = arith.constant 0 : index
    %get3A_7 = arith.constant 0 : index
    %get3A_8 = vector.load %arg3[%get3A_6, %get3A_7] : memref<80x64xf32, #tpu.memory_space<vmem>>, vector<80x64xf32>
    %dot_general3A = arith.constant dense<0.000000e+00> : vector<2048x64xf32>
    %dot_general3A_9 = tpu.matmul %sub3A, %get3A_8, %dot_general3A {dimension_numbers = #tpu.dot_dimension_numbers<[1], [0], [0], [1], [0, 0, 1, 1], [], []>, transpose_lhs_hint = false} : vector<2048x80xf32>, vector<80x64xf32>, vector<2048x64xf32> -> vector<2048x64xf32>
    %get3A_10 = arith.constant 0 : index
    %get3A_11 = arith.constant 0 : index
    %get3A_12 = vector.load %arg4[%get3A_10, %get3A_11] : memref<1x64xf32, #tpu.memory_space<vmem>>, vector<1x64xf32>
    %add3A = vector.broadcast %get3A_12 : vector<1x64xf32> to vector<2048x64xf32>
    %add3A_13 = arith.addf %dot_general3A_9, %add3A : vector<2048x64xf32>
    %slice3A = vector.extract_strided_slice %sub3A {offsets = [0, 0], sizes = [2048, 3], strides = [1, 1]} : vector<2048x80xf32> to vector<2048x3xf32>
    %get3A_14 = arith.constant 0 : index
    %get3A_15 = arith.constant 0 : index
    %get3A_16 = vector.load %arg5[%get3A_14, %get3A_15] : memref<3x8xf32, #tpu.memory_space<vmem>>, vector<3x8xf32>
    %dot_general3A_17 = arith.constant dense<0.000000e+00> : vector<2048x8xf32>
    %dot_general3A_18 = tpu.matmul %slice3A, %get3A_16, %dot_general3A_17 {dimension_numbers = #tpu.dot_dimension_numbers<[1], [0], [0], [1], [0, 0, 1, 1], [], []>, transpose_lhs_hint = false} : vector<2048x3xf32>, vector<3x8xf32>, vector<2048x8xf32> -> vector<2048x8xf32>
    %swap3A = arith.constant 0 : index
    %swap3A_19 = arith.constant 0 : index
    %swap3A_20 = vector.load %arg6[%swap3A, %swap3A_19] : memref<2048x64xf32, #tpu.memory_space<vmem>>, vector<2048x64xf32>
    tpu.vector_store %arg6[%swap3A, %swap3A_19], %add3A_13 {strides = array<i32>} : memref<2048x64xf32, #tpu.memory_space<vmem>>, vector<2048x64xf32>,
    %swap3A_21 = arith.constant 0 : index
    %swap3A_22 = arith.constant 0 : index
    %swap3A_23 = vector.load %arg7[%swap3A_21, %swap3A_22] : memref<2048x8xf32, #tpu.memory_space<vmem>>, vector<2048x8xf32>
    tpu.vector_store %arg7[%swap3A_21, %swap3A_22], %dot_general3A_18 {strides = array<i32>} : memref<2048x8xf32, #tpu.memory_space<vmem>>, vector<2048x8xf32>,
    %slice3A_24 = vector.extract_strided_slice %sub3A {offsets = [0, 67], sizes = [2048, 1], strides = [1, 1]} : vector<2048x80xf32> to vector<2048x1xf32>
    %swap3A_25 = arith.constant 0 : index
    %swap3A_26 = arith.constant 0 : index
    %swap3A_27 = vector.load %arg8[%swap3A_25, %swap3A_26] : memref<2048x1xf32, #tpu.memory_space<vmem>>, vector<2048x1xf32>
    tpu.vector_store %arg8[%swap3A_25, %swap3A_26], %slice3A_24 {strides = array<i32>} : memref<2048x1xf32, #tpu.memory_space<vmem>>, vector<2048x1xf32>,
    %eq3A = arith.constant 0 : i32
    %eq3A_28 = arith.cmpi eq, %arg0, %eq3A : i32
    %convert_element_type3A = arith.extui %eq3A_28 : i1 to i32
    %cond3A = arith.constant 0 : i32
    %cond3A_29 = arith.cmpi ne, %convert_element_type3A, %cond3A : i32
    scf.if %cond3A_29 {
      %broadcast_in_dim3A_76 = arith.constant 0.000000e+00 : f32
      %broadcast_in_dim3A_77 = vector.broadcast %broadcast_in_dim3A_76 : f32 to vector<8x64xf32>
      %swap3A_78 = arith.constant 0 : index
      %swap3A_79 = arith.constant 0 : index
      %swap3A_80 = vector.load %arg9[%swap3A_78, %swap3A_79] : memref<8x64xf32, #tpu.memory_space<vmem>>, vector<8x64xf32>
      tpu.vector_store %arg9[%swap3A_78, %swap3A_79], %broadcast_in_dim3A_77 {strides = array<i32>} : memref<8x64xf32, #tpu.memory_space<vmem>>, vector<8x64xf32>,
    } else {
    }
    %broadcast_in_dim3A_30 = arith.constant 1.000000e+00 : f32
    %broadcast_in_dim3A_31 = vector.broadcast %broadcast_in_dim3A_30 : f32 to vector<1x2048xf32>
    %get3A_32 = arith.constant 0 : index
    %get3A_33 = arith.constant 0 : index
    %get3A_34 = vector.load %arg9[%get3A_32, %get3A_33] : memref<8x64xf32, #tpu.memory_space<vmem>>, vector<1x64xf32>
    %dot_general3A_35 = arith.constant dense<0.000000e+00> : vector<1x64xf32>
    %dot_general3A_36 = tpu.matmul %broadcast_in_dim3A_31, %add3A_13, %dot_general3A_35 {dimension_numbers = #tpu.dot_dimension_numbers<[1], [0], [0], [1], [0, 0, 1, 1], [], []>, precision = #tpu.contract_precision<fp32>, transpose_lhs_hint = false} : vector<1x2048xf32>, vector<2048x64xf32>, vector<1x64xf32> -> vector<1x64xf32>
    %add3A_37 = arith.addf %get3A_34, %dot_general3A_36 : vector<1x64xf32>
    %swap3A_38 = arith.constant 0 : index
    %swap3A_39 = arith.constant 0 : index
    %swap3A_40 = vector.load %arg9[%swap3A_38, %swap3A_39] : memref<8x64xf32, #tpu.memory_space<vmem>>, vector<1x64xf32>
    tpu.vector_store %arg9[%swap3A_38, %swap3A_39], %add3A_37 {strides = array<i32>} : memref<8x64xf32, #tpu.memory_space<vmem>>, vector<1x64xf32>,
    %get3A_41 = arith.constant 1 : index
    %get3A_42 = arith.constant 0 : index
    %get3A_43 = vector.load %arg9[%get3A_41, %get3A_42] : memref<8x64xf32, #tpu.memory_space<vmem>>, vector<1x64xf32>
    %mul3A = arith.mulf %add3A_13, %add3A_13 : vector<2048x64xf32>
    %dot_general3A_44 = arith.constant dense<0.000000e+00> : vector<1x64xf32>
    %dot_general3A_45 = tpu.matmul %broadcast_in_dim3A_31, %mul3A, %dot_general3A_44 {dimension_numbers = #tpu.dot_dimension_numbers<[1], [0], [0], [1], [0, 0, 1, 1], [], []>, precision = #tpu.contract_precision<fp32>, transpose_lhs_hint = false} : vector<1x2048xf32>, vector<2048x64xf32>, vector<1x64xf32> -> vector<1x64xf32>
    %add3A_46 = arith.addf %get3A_43, %dot_general3A_45 : vector<1x64xf32>
    %swap3A_47 = arith.constant 1 : index
    %swap3A_48 = arith.constant 0 : index
    %swap3A_49 = vector.load %arg9[%swap3A_47, %swap3A_48] : memref<8x64xf32, #tpu.memory_space<vmem>>, vector<1x64xf32>
    tpu.vector_store %arg9[%swap3A_47, %swap3A_48], %add3A_46 {strides = array<i32>} : memref<8x64xf32, #tpu.memory_space<vmem>>, vector<1x64xf32>,
    %eq3A_50 = arith.constant 0 : i32
    %eq3A_51 = arith.cmpi eq, %arg0, %eq3A_50 : i32
    %convert_element_type3A_52 = arith.extui %eq3A_51 : i1 to i32
    %cond3A_53 = arith.constant 0 : i32
    %cond3A_54 = arith.cmpi ne, %convert_element_type3A_52, %cond3A_53 : i32
    scf.if %cond3A_54 {
      %broadcast_in_dim3A_76 = arith.constant 0.000000e+00 : f32
      %broadcast_in_dim3A_77 = vector.broadcast %broadcast_in_dim3A_76 : f32 to vector<8x8xf32>
      %swap3A_78 = arith.constant 0 : index
      %swap3A_79 = arith.constant 0 : index
      %swap3A_80 = vector.load %arg10[%swap3A_78, %swap3A_79] : memref<8x8xf32, #tpu.memory_space<vmem>>, vector<8x8xf32>
      tpu.vector_store %arg10[%swap3A_78, %swap3A_79], %broadcast_in_dim3A_77 {strides = array<i32>} : memref<8x8xf32, #tpu.memory_space<vmem>>, vector<8x8xf32>,
    } else {
    }
    %broadcast_in_dim3A_55 = arith.constant 1.000000e+00 : f32
    %broadcast_in_dim3A_56 = vector.broadcast %broadcast_in_dim3A_55 : f32 to vector<1x2048xf32>
    %get3A_57 = arith.constant 0 : index
    %get3A_58 = arith.constant 0 : index
    %get3A_59 = vector.load %arg10[%get3A_57, %get3A_58] : memref<8x8xf32, #tpu.memory_space<vmem>>, vector<1x8xf32>
    %dot_general3A_60 = arith.constant dense<0.000000e+00> : vector<1x8xf32>
    %dot_general3A_61 = tpu.matmul %broadcast_in_dim3A_56, %dot_general3A_18, %dot_general3A_60 {dimension_numbers = #tpu.dot_dimension_numbers<[1], [0], [0], [1], [0, 0, 1, 1], [], []>, precision = #tpu.contract_precision<fp32>, transpose_lhs_hint = false} : vector<1x2048xf32>, vector<2048x8xf32>, vector<1x8xf32> -> vector<1x8xf32>
    %add3A_62 = arith.addf %get3A_59, %dot_general3A_61 : vector<1x8xf32>
    %swap3A_63 = arith.constant 0 : index
    %swap3A_64 = arith.constant 0 : index
    %swap3A_65 = vector.load %arg10[%swap3A_63, %swap3A_64] : memref<8x8xf32, #tpu.memory_space<vmem>>, vector<1x8xf32>
    tpu.vector_store %arg10[%swap3A_63, %swap3A_64], %add3A_62 {strides = array<i32>} : memref<8x8xf32, #tpu.memory_space<vmem>>, vector<1x8xf32>,
    %get3A_66 = arith.constant 1 : index
    %get3A_67 = arith.constant 0 : index
    %get3A_68 = vector.load %arg10[%get3A_66, %get3A_67] : memref<8x8xf32, #tpu.memory_space<vmem>>, vector<1x8xf32>
    %mul3A_69 = arith.mulf %dot_general3A_18, %dot_general3A_18 : vector<2048x8xf32>
    %dot_general3A_70 = arith.constant dense<0.000000e+00> : vector<1x8xf32>
    %dot_general3A_71 = tpu.matmul %broadcast_in_dim3A_56, %mul3A_69, %dot_general3A_70 {dimension_numbers = #tpu.dot_dimension_numbers<[1], [0], [0], [1], [0, 0, 1, 1], [], []>, precision = #tpu.contract_precision<fp32>, transpose_lhs_hint = false} : vector<1x2048xf32>, vector<2048x8xf32>, vector<1x8xf32> -> vector<1x8xf32>
    %add3A_72 = arith.addf %get3A_68, %dot_general3A_71 : vector<1x8xf32>
    %swap3A_73 = arith.constant 1 : index
    %swap3A_74 = arith.constant 0 : index
    %swap3A_75 = vector.load %arg10[%swap3A_73, %swap3A_74] : memref<8x8xf32, #tpu.memory_space<vmem>>, vector<1x8xf32>
    tpu.vector_store %arg10[%swap3A_73, %swap3A_74], %add3A_72 {strides = array<i32>} : memref<8x8xf32, #tpu.memory_space<vmem>>, vector<1x8xf32>,
    return
  }
  func.func @transform_0(%arg0: i32) -> (i32, i32) {
    %c0_i32 = arith.constant 0 : i32
    %c0_i32_0 = arith.constant 0 : i32
    return %arg0, %c0_i32 : i32, i32
  }
  func.func @transform_1(%arg0: i32) -> (i32, i32) {
    %c0_i32 = arith.constant 0 : i32
    %c0_i32_0 = arith.constant 0 : i32
    return %arg0, %c0_i32 : i32, i32
  }
  func.func @transform_2(%arg0: i32) -> (i32, i32) {
    %c0_i32 = arith.constant 0 : i32
    %c0_i32_0 = arith.constant 0 : i32
    %c0_i32_1 = arith.constant 0 : i32
    return %c0_i32, %c0_i32_0 : i32, i32
  }
  func.func @transform_3(%arg0: i32) -> (i32, i32) {
    %c0_i32 = arith.constant 0 : i32
    %c0_i32_0 = arith.constant 0 : i32
    %c0_i32_1 = arith.constant 0 : i32
    return %c0_i32, %c0_i32_0 : i32, i32
  }
  func.func @transform_4(%arg0: i32) -> (i32, i32) {
    %c0_i32 = arith.constant 0 : i32
    %c0_i32_0 = arith.constant 0 : i32
    %c0_i32_1 = arith.constant 0 : i32
    return %c0_i32, %c0_i32_0 : i32, i32
  }
  func.func @transform_5(%arg0: i32) -> (i32, i32) {
    %c0_i32 = arith.constant 0 : i32
    %c0_i32_0 = arith.constant 0 : i32
    return %arg0, %c0_i32 : i32, i32
  }
  func.func @transform_6(%arg0: i32) -> (i32, i32) {
    %c0_i32 = arith.constant 0 : i32
    %c0_i32_0 = arith.constant 0 : i32
    return %arg0, %c0_i32 : i32, i32
  }
  func.func @transform_7(%arg0: i32) -> (i32, i32) {
    %c0_i32 = arith.constant 0 : i32
    %c0_i32_0 = arith.constant 0 : i32
    return %arg0, %c0_i32 : i32, i32
  }
  func.func @transform_8(%arg0: i32) -> (i32, i32) {
    %c0_i32 = arith.constant 0 : i32
    %c0_i32_0 = arith.constant 0 : i32
    %c0_i32_1 = arith.constant 0 : i32
    return %c0_i32, %c0_i32_0 : i32, i32
  }
  func.func @transform_9(%arg0: i32) -> (i32, i32) {
    %c0_i32 = arith.constant 0 : i32
    %c0_i32_0 = arith.constant 0 : i32
    %c0_i32_1 = arith.constant 0 : i32
    return %c0_i32, %c0_i32_0 : i32, i32
  }
}

module attributes {stable_mosaic.version = 14 : i64} {
  func.func @_gmax_body(%arg0: i32, %arg1: memref<512x32xf32, #tpu.memory_space<vmem>>, %arg2: memref<512x32xf32, #tpu.memory_space<vmem>>) attributes {dimension_semantics = [#tpu.dimension_semantics<arbitrary>], iteration_bounds = array<i64: 8>, scalar_prefetch = 0 : i64, scratch_operands = 0 : i64, tpu.core_type = #tpu.core_type<tc>, window_params = [{transform_indices = @transform_0, window_bounds = array<i64: 512, 32>}, {transform_indices = @transform_1, window_bounds = array<i64: 512, 32>}]} {
    %get3A = arith.constant 0 : index
    %get3A_0 = arith.constant 0 : index
    %get3A_1 = vector.load %arg1[%get3A, %get3A_0] : memref<512x32xf32, #tpu.memory_space<vmem>>, vector<512x32xf32>
    %reduce_max3A = arith.constant dense<0xFF800000> : vector<512xf32>
    %reduce_max3A_2 = vector.multi_reduction <maximumf>, %get3A_1, %reduce_max3A [1] : vector<512x32xf32> to vector<512xf32>
    %broadcast_in_dim3A = vector.shape_cast %reduce_max3A_2 : vector<512xf32> to vector<512x1xf32>
    %div3A = vector.broadcast %broadcast_in_dim3A : vector<512x1xf32> to vector<512x32xf32>
    %div3A_3 = arith.divf %get3A_1, %div3A : vector<512x32xf32>
    %swap3A = arith.constant 0 : index
    %swap3A_4 = arith.constant 0 : index
    %swap3A_5 = vector.load %arg2[%swap3A, %swap3A_4] : memref<512x32xf32, #tpu.memory_space<vmem>>, vector<512x32xf32>
    tpu.vector_store %arg2[%swap3A, %swap3A_4], %div3A_3 {strides = array<i32>} : memref<512x32xf32, #tpu.memory_space<vmem>>, vector<512x32xf32>,
    return
  }
  func.func @transform_0(%arg0: i32) -> (i32, i32) {
    %c0_i32 = arith.constant 0 : i32
    %c0_i32_0 = arith.constant 0 : i32
    return %arg0, %c0_i32 : i32, i32
  }
  func.func @transform_1(%arg0: i32) -> (i32, i32) {
    %c0_i32 = arith.constant 0 : i32
    %c0_i32_0 = arith.constant 0 : i32
    return %arg0, %c0_i32 : i32, i32
  }
}

module attributes {stable_mosaic.version = 14 : i64} {
  func.func @_p2_body(%arg0: i32, %arg1: memref<2048x64xf32, #tpu.memory_space<vmem>>, %arg2: memref<8x64xf32, #tpu.memory_space<vmem>>, %arg3: memref<1x64xf32, #tpu.memory_space<vmem>>, %arg4: memref<1x64xf32, #tpu.memory_space<vmem>>, %arg5: memref<64x128xf32, #tpu.memory_space<vmem>>, %arg6: memref<1x128xf32, #tpu.memory_space<vmem>>, %arg7: memref<2048x8xf32, #tpu.memory_space<vmem>>, %arg8: memref<8x8xf32, #tpu.memory_space<vmem>>, %arg9: memref<1x8xf32, #tpu.memory_space<vmem>>, %arg10: memref<1x8xf32, #tpu.memory_space<vmem>>, %arg11: memref<8x8xf32, #tpu.memory_space<vmem>>, %arg12: memref<2048x1xf32, #tpu.memory_space<vmem>>, %arg13: memref<1x16xf32, #tpu.memory_space<vmem>>, %arg14: memref<1x16xf32, #tpu.memory_space<vmem>>, %arg15: memref<2048x128xf32, #tpu.memory_space<vmem>>, %arg16: memref<2048x8xf32, #tpu.memory_space<vmem>>, %arg17: memref<2048x16xf32, #tpu.memory_space<vmem>>, %arg18: memref<8x128xf32, #tpu.memory_space<vmem>>, %arg19: memref<8x8xf32, #tpu.memory_space<vmem>>, %arg20: memref<8x16xf32, #tpu.memory_space<vmem>>) attributes {dimension_semantics = [#tpu.dimension_semantics<arbitrary>], iteration_bounds = array<i64: 64>, scalar_prefetch = 0 : i64, scratch_operands = 0 : i64, tpu.core_type = #tpu.core_type<tc>, window_params = [{transform_indices = @transform_0, window_bounds = array<i64: 2048, 64>}, {pipeline_mode = #tpu.pipeline_mode<synchronous>, transform_indices = @transform_1, window_bounds = array<i64: 8, 64>}, {pipeline_mode = #tpu.pipeline_mode<synchronous>, transform_indices = @transform_2, window_bounds = array<i64: 1, 64>}, {pipeline_mode = #tpu.pipeline_mode<synchronous>, transform_indices = @transform_3, window_bounds = array<i64: 1, 64>}, {pipeline_mode = #tpu.pipeline_mode<synchronous>, transform_indices = @transform_4, window_bounds = array<i64: 64, 128>}, {pipeline_mode = #tpu.pipeline_mode<synchronous>, transform_indices = @transform_5, window_bounds = array<i64: 1, 128>}, {transform_indices = @transform_6, window_bounds = array<i64: 2048, 8>}, {pipeline_mode = #tpu.pipeline_mode<synchronous>, transform_indices = @transform_7, window_bounds = array<i64: 8, 8>}, {pipeline_mode = #tpu.pipeline_mode<synchronous>, transform_indices = @transform_8, window_bounds = array<i64: 1, 8>}, {pipeline_mode = #tpu.pipeline_mode<synchronous>, transform_indices = @transform_9, window_bounds = array<i64: 1, 8>}, {pipeline_mode = #tpu.pipeline_mode<synchronous>, transform_indices = @transform_10, window_bounds = array<i64: 8, 8>}, {transform_indices = @transform_11, window_bounds = array<i64: 2048, 1>}, {pipeline_mode = #tpu.pipeline_mode<synchronous>, transform_indices = @transform_12, window_bounds = array<i64: 1, 16>}, {pipeline_mode = #tpu.pipeline_mode<synchronous>, transform_indices = @transform_13, window_bounds = array<i64: 1, 16>}, {transform_indices = @transform_14, window_bounds = array<i64: 2048, 128>}, {transform_indices = @transform_15, window_bounds = array<i64: 2048, 8>}, {transform_indices = @transform_16, window_bounds = array<i64: 2048, 16>}, {pipeline_mode = #tpu.pipeline_mode<synchronous>, transform_indices = @transform_17, window_bounds = array<i64: 8, 128>}, {pipeline_mode = #tpu.pipeline_mode<synchronous>, transform_indices = @transform_18, window_bounds = array<i64: 8, 8>}, {pipeline_mode = #tpu.pipeline_mode<synchronous>, transform_indices = @transform_19, window_bounds = array<i64: 8, 16>}]} {
    %get3A = arith.constant 0 : index
    %get3A_0 = arith.constant 0 : index
    %get3A_1 = vector.load %arg1[%get3A, %get3A_0] : memref<2048x64xf32, #tpu.memory_space<vmem>>, vector<2048x64xf32>
    %get3A_2 = arith.constant 0 : index
    %get3A_3 = arith.constant 0 : index
    %get3A_4 = vector.load %arg2[%get3A_2, %get3A_3] : memref<8x64xf32, #tpu.memory_space<vmem>>, vector<1x64xf32>
    %mul3A = arith.constant 7.62939453E-6 : f32
    %mul3A_5 = vector.broadcast %mul3A : f32 to vector<1x64xf32>
    %mul3A_6 = arith.mulf %get3A_4, %mul3A_5 : vector<1x64xf32>
    %get3A_7 = arith.constant 1 : index
    %get3A_8 = arith.constant 0 : index
    %get3A_9 = vector.load %arg2[%get3A_7, %get3A_8] : memref<8x64xf32, #tpu.memory_space<vmem>>, vector<1x64xf32>
    %mul3A_10 = arith.constant 7.62939453E-6 : f32
    %mul3A_11 = vector.broadcast %mul3A_10 : f32 to vector<1x64xf32>
    %mul3A_12 = arith.mulf %get3A_9, %mul3A_11 : vector<1x64xf32>
    %mul3A_13 = arith.mulf %mul3A_6, %mul3A_6 : vector<1x64xf32>
    %sub3A = arith.subf %mul3A_12, %mul3A_13 : vector<1x64xf32>
    %get3A_14 = arith.constant 0 : index
    %get3A_15 = arith.constant 0 : index
    %get3A_16 = vector.load %arg3[%get3A_14, %get3A_15] : memref<1x64xf32, #tpu.memory_space<vmem>>, vector<1x64xf32>
    %add3A = arith.constant 9.99999974E-6 : f32
    %add3A_17 = vector.broadcast %add3A : f32 to vector<1x64xf32>
    %add3A_18 = arith.addf %sub3A, %add3A_17 : vector<1x64xf32>
    %sqrt3A = math.sqrt %add3A_18 : vector<1x64xf32>
    %div3A = arith.divf %get3A_16, %sqrt3A : vector<1x64xf32>
    %get3A_19 = arith.constant 0 : index
    %get3A_20 = arith.constant 0 : index
    %get3A_21 = vector.load %arg4[%get3A_19, %get3A_20] : memref<1x64xf32, #tpu.memory_space<vmem>>, vector<1x64xf32>
    %mul3A_22 = arith.mulf %mul3A_6, %div3A : vector<1x64xf32>
    %sub3A_23 = arith.subf %get3A_21, %mul3A_22 : vector<1x64xf32>
    %mul3A_24 = vector.broadcast %div3A : vector<1x64xf32> to vector<2048x64xf32>
    %mul3A_25 = arith.mulf %get3A_1, %mul3A_24 : vector<2048x64xf32>
    %add3A_26 = vector.broadcast %sub3A_23 : vector<1x64xf32> to vector<2048x64xf32>
    %add3A_27 = arith.addf %mul3A_25, %add3A_26 : vector<2048x64xf32>
    %max3A = arith.constant 0.000000e+00 : f32
    %max3A_28 = vector.broadcast %max3A : f32 to vector<2048x64xf32>
    %max3A_29 = arith.maximumf %add3A_27, %max3A_28 : vector<2048x64xf32>
    %get3A_30 = arith.constant 0 : index
    %get3A_31 = arith.constant 0 : index
    %get3A_32 = vector.load %arg5[%get3A_30, %get3A_31] : memref<64x128xf32, #tpu.memory_space<vmem>>, vector<64x128xf32>
    %dot_general3A = arith.constant dense<0.000000e+00> : vector<2048x128xf32>
    %dot_general3A_33 = tpu.matmul %max3A_29, %get3A_32, %dot_general3A {dimension_numbers = #tpu.dot_dimension_numbers<[1], [0], [0], [1], [0, 0, 1, 1], [], []>, transpose_lhs_hint = false} : vector<2048x64xf32>, vector<64x128xf32>, vector<2048x128xf32> -> vector<2048x128xf32>
    %get3A_34 = arith.constant 0 : index
    %get3A_35 = arith.constant 0 : index
    %get3A_36 = vector.load %arg6[%get3A_34, %get3A_35] : memref<1x128xf32, #tpu.memory_space<vmem>>, vector<1x128xf32>
    %add3A_37 = vector.broadcast %get3A_36 : vector<1x128xf32> to vector<2048x128xf32>
    %add3A_38 = arith.addf %dot_general3A_33, %add3A_37 : vector<2048x128xf32>
    %get3A_39 = arith.constant 0 : index
    %get3A_40 = arith.constant 0 : index
    %get3A_41 = vector.load %arg7[%get3A_39, %get3A_40] : memref<2048x8xf32, #tpu.memory_space<vmem>>, vector<2048x8xf32>
    %get3A_42 = arith.constant 0 : index
    %get3A_43 = arith.constant 0 : index
    %get3A_44 = vector.load %arg8[%get3A_42, %get3A_43] : memref<8x8xf32, #tpu.memory_space<vmem>>, vector<1x8xf32>
    %mul3A_45 = arith.constant 7.62939453E-6 : f32
    %mul3A_46 = vector.broadcast %mul3A_45 : f32 to vector<1x8xf32>
    %mul3A_47 = arith.mulf %get3A_44, %mul3A_46 : vector<1x8xf32>
    %get3A_48 = arith.constant 1 : index
    %get3A_49 = arith.constant 0 : index
    %get3A_50 = vector.load %arg8[%get3A_48, %get3A_49] : memref<8x8xf32, #tpu.memory_space<vmem>>, vector<1x8xf32>
    %mul3A_51 = arith.constant 7.62939453E-6 : f32
    %mul3A_52 = vector.broadcast %mul3A_51 : f32 to vector<1x8xf32>
    %mul3A_53 = arith.mulf %get3A_50, %mul3A_52 : vector<1x8xf32>
    %mul3A_54 = arith.mulf %mul3A_47, %mul3A_47 : vector<1x8xf32>
    %sub3A_55 = arith.subf %mul3A_53, %mul3A_54 : vector<1x8xf32>
    %get3A_56 = arith.constant 0 : index
    %get3A_57 = arith.constant 0 : index
    %get3A_58 = vector.load %arg9[%get3A_56, %get3A_57] : memref<1x8xf32, #tpu.memory_space<vmem>>, vector<1x8xf32>
    %add3A_59 = arith.constant 9.99999974E-6 : f32
    %add3A_60 = vector.broadcast %add3A_59 : f32 to vector<1x8xf32>
    %add3A_61 = arith.addf %sub3A_55, %add3A_60 : vector<1x8xf32>
    %sqrt3A_62 = math.sqrt %add3A_61 : vector<1x8xf32>
    %div3A_63 = arith.divf %get3A_58, %sqrt3A_62 : vector<1x8xf32>
    %get3A_64 = arith.constant 0 : index
    %get3A_65 = arith.constant 0 : index
    %get3A_66 = vector.load %arg10[%get3A_64, %get3A_65] : memref<1x8xf32, #tpu.memory_space<vmem>>, vector<1x8xf32>
    %mul3A_67 = arith.mulf %mul3A_47, %div3A_63 : vector<1x8xf32>
    %sub3A_68 = arith.subf %get3A_66, %mul3A_67 : vector<1x8xf32>
    %mul3A_69 = vector.broadcast %div3A_63 : vector<1x8xf32> to vector<2048x8xf32>
    %mul3A_70 = arith.mulf %get3A_41, %mul3A_69 : vector<2048x8xf32>
    %add3A_71 = vector.broadcast %sub3A_68 : vector<1x8xf32> to vector<2048x8xf32>
    %add3A_72 = arith.addf %mul3A_70, %add3A_71 : vector<2048x8xf32>
    %max3A_73 = arith.constant 0.000000e+00 : f32
    %max3A_74 = vector.broadcast %max3A_73 : f32 to vector<2048x8xf32>
    %max3A_75 = arith.maximumf %add3A_72, %max3A_74 : vector<2048x8xf32>
    %get3A_76 = arith.constant 0 : index
    %get3A_77 = arith.constant 0 : index
    %get3A_78 = vector.load %arg11[%get3A_76, %get3A_77] : memref<8x8xf32, #tpu.memory_space<vmem>>, vector<8x8xf32>
    %dot_general3A_79 = arith.constant dense<0.000000e+00> : vector<2048x8xf32>
    %dot_general3A_80 = tpu.matmul %max3A_75, %get3A_78, %dot_general3A_79 {dimension_numbers = #tpu.dot_dimension_numbers<[1], [0], [0], [1], [0, 0, 1, 1], [], []>, transpose_lhs_hint = false} : vector<2048x8xf32>, vector<8x8xf32>, vector<2048x8xf32> -> vector<2048x8xf32>
    %get3A_81 = arith.constant 0 : index
    %get3A_82 = arith.constant 0 : index
    %get3A_83 = vector.load %arg12[%get3A_81, %get3A_82] : memref<2048x1xf32, #tpu.memory_space<vmem>>, vector<2048x1xf32>
    %get3A_84 = arith.constant 0 : index
    %get3A_85 = arith.constant 0 : index
    %get3A_86 = vector.load %arg13[%get3A_84, %get3A_85] : memref<1x16xf32, #tpu.memory_space<vmem>>, vector<1x16xf32>
    %mul3A_87 = vector.broadcast %get3A_83 : vector<2048x1xf32> to vector<2048x16xf32>
    %mul3A_88 = vector.broadcast %get3A_86 : vector<1x16xf32> to vector<2048x16xf32>
    %mul3A_89 = arith.mulf %mul3A_87, %mul3A_88 : vector<2048x16xf32>
    %get3A_90 = arith.constant 0 : index
    %get3A_91 = arith.constant 0 : index
    %get3A_92 = vector.load %arg14[%get3A_90, %get3A_91] : memref<1x16xf32, #tpu.memory_space<vmem>>, vector<1x16xf32>
    %add3A_93 = vector.broadcast %get3A_92 : vector<1x16xf32> to vector<2048x16xf32>
    %add3A_94 = arith.addf %mul3A_89, %add3A_93 : vector<2048x16xf32>
    %swap3A = arith.constant 0 : index
    %swap3A_95 = arith.constant 0 : index
    %swap3A_96 = vector.load %arg15[%swap3A, %swap3A_95] : memref<2048x128xf32, #tpu.memory_space<vmem>>, vector<2048x128xf32>
    tpu.vector_store %arg15[%swap3A, %swap3A_95], %add3A_38 {strides = array<i32>} : memref<2048x128xf32, #tpu.memory_space<vmem>>, vector<2048x128xf32>,
    %swap3A_97 = arith.constant 0 : index
    %swap3A_98 = arith.constant 0 : index
    %swap3A_99 = vector.load %arg16[%swap3A_97, %swap3A_98] : memref<2048x8xf32, #tpu.memory_space<vmem>>, vector<2048x8xf32>
    tpu.vector_store %arg16[%swap3A_97, %swap3A_98], %dot_general3A_80 {strides = array<i32>} : memref<2048x8xf32, #tpu.memory_space<vmem>>, vector<2048x8xf32>,
    %swap3A_100 = arith.constant 0 : index
    %swap3A_101 = arith.constant 0 : index
    %swap3A_102 = vector.load %arg17[%swap3A_100, %swap3A_101] : memref<2048x16xf32, #tpu.memory_space<vmem>>, vector<2048x16xf32>
    tpu.vector_store %arg17[%swap3A_100, %swap3A_101], %add3A_94 {strides = array<i32>} : memref<2048x16xf32, #tpu.memory_space<vmem>>, vector<2048x16xf32>,
    %eq3A = arith.constant 0 : i32
    %eq3A_103 = arith.cmpi eq, %arg0, %eq3A : i32
    %convert_element_type3A = arith.extui %eq3A_103 : i1 to i32
    %cond3A = arith.constant 0 : i32
    %cond3A_104 = arith.cmpi ne, %convert_element_type3A, %cond3A : i32
    scf.if %cond3A_104 {
      %broadcast_in_dim3A_177 = arith.constant 0.000000e+00 : f32
      %broadcast_in_dim3A_178 = vector.broadcast %broadcast_in_dim3A_177 : f32 to vector<8x128xf32>
      %swap3A_179 = arith.constant 0 : index
      %swap3A_180 = arith.constant 0 : index
      %swap3A_181 = vector.load %arg18[%swap3A_179, %swap3A_180] : memref<8x128xf32, #tpu.memory_space<vmem>>, vector<8x128xf32>
      tpu.vector_store %arg18[%swap3A_179, %swap3A_180], %broadcast_in_dim3A_178 {strides = array<i32>} : memref<8x128xf32, #tpu.memory_space<vmem>>, vector<8x128xf32>,
    } else {
    }
    %broadcast_in_dim3A = arith.constant 1.000000e+00 : f32
    %broadcast_in_dim3A_105 = vector.broadcast %broadcast_in_dim3A : f32 to vector<1x2048xf32>
    %get3A_106 = arith.constant 0 : index
    %get3A_107 = arith.constant 0 : index
    %get3A_108 = vector.load %arg18[%get3A_106, %get3A_107] : memref<8x128xf32, #tpu.memory_space<vmem>>, vector<1x128xf32>
    %dot_general3A_109 = arith.constant dense<0.000000e+00> : vector<1x128xf32>
    %dot_general3A_110 = tpu.matmul %broadcast_in_dim3A_105, %add3A_38, %dot_general3A_109 {dimension_numbers = #tpu.dot_dimension_numbers<[1], [0], [0], [1], [0, 0, 1, 1], [], []>, precision = #tpu.contract_precision<fp32>, transpose_lhs_hint = false} : vector<1x2048xf32>, vector<2048x128xf32>, vector<1x128xf32> -> vector<1x128xf32>
    %add3A_111 = arith.addf %get3A_108, %dot_general3A_110 : vector<1x128xf32>
    %swap3A_112 = arith.constant 0 : index
    %swap3A_113 = arith.constant 0 : index
    %swap3A_114 = vector.load %arg18[%swap3A_112, %swap3A_113] : memref<8x128xf32, #tpu.memory_space<vmem>>, vector<1x128xf32>
    tpu.vector_store %arg18[%swap3A_112, %swap3A_113], %add3A_111 {strides = array<i32>} : memref<8x128xf32, #tpu.memory_space<vmem>>, vector<1x128xf32>,
    %get3A_115 = arith.constant 1 : index
    %get3A_116 = arith.constant 0 : index
    %get3A_117 = vector.load %arg18[%get3A_115, %get3A_116] : memref<8x128xf32, #tpu.memory_space<vmem>>, vector<1x128xf32>
    %mul3A_118 = arith.mulf %add3A_38, %add3A_38 : vector<2048x128xf32>
    %dot_general3A_119 = arith.constant dense<0.000000e+00> : vector<1x128xf32>
    %dot_general3A_120 = tpu.matmul %broadcast_in_dim3A_105, %mul3A_118, %dot_general3A_119 {dimension_numbers = #tpu.dot_dimension_numbers<[1], [0], [0], [1], [0, 0, 1, 1], [], []>, precision = #tpu.contract_precision<fp32>, transpose_lhs_hint = false} : vector<1x2048xf32>, vector<2048x128xf32>, vector<1x128xf32> -> vector<1x128xf32>
    %add3A_121 = arith.addf %get3A_117, %dot_general3A_120 : vector<1x128xf32>
    %swap3A_122 = arith.constant 1 : index
    %swap3A_123 = arith.constant 0 : index
    %swap3A_124 = vector.load %arg18[%swap3A_122, %swap3A_123] : memref<8x128xf32, #tpu.memory_space<vmem>>, vector<1x128xf32>
    tpu.vector_store %arg18[%swap3A_122, %swap3A_123], %add3A_121 {strides = array<i32>} : memref<8x128xf32, #tpu.memory_space<vmem>>, vector<1x128xf32>,
    %eq3A_125 = arith.constant 0 : i32
    %eq3A_126 = arith.cmpi eq, %arg0, %eq3A_125 : i32
    %convert_element_type3A_127 = arith.extui %eq3A_126 : i1 to i32
    %cond3A_128 = arith.constant 0 : i32
    %cond3A_129 = arith.cmpi ne, %convert_element_type3A_127, %cond3A_128 : i32
    scf.if %cond3A_129 {
      %broadcast_in_dim3A_177 = arith.constant 0.000000e+00 : f32
      %broadcast_in_dim3A_178 = vector.broadcast %broadcast_in_dim3A_177 : f32 to vector<8x8xf32>
      %swap3A_179 = arith.constant 0 : index
      %swap3A_180 = arith.constant 0 : index
      %swap3A_181 = vector.load %arg19[%swap3A_179, %swap3A_180] : memref<8x8xf32, #tpu.memory_space<vmem>>, vector<8x8xf32>
      tpu.vector_store %arg19[%swap3A_179, %swap3A_180], %broadcast_in_dim3A_178 {strides = array<i32>} : memref<8x8xf32, #tpu.memory_space<vmem>>, vector<8x8xf32>,
    } else {
    }
    %broadcast_in_dim3A_130 = arith.constant 1.000000e+00 : f32
    %broadcast_in_dim3A_131 = vector.broadcast %broadcast_in_dim3A_130 : f32 to vector<1x2048xf32>
    %get3A_132 = arith.constant 0 : index
    %get3A_133 = arith.constant 0 : index
    %get3A_134 = vector.load %arg19[%get3A_132, %get3A_133] : memref<8x8xf32, #tpu.memory_space<vmem>>, vector<1x8xf32>
    %dot_general3A_135 = arith.constant dense<0.000000e+00> : vector<1x8xf32>
    %dot_general3A_136 = tpu.matmul %broadcast_in_dim3A_131, %dot_general3A_80, %dot_general3A_135 {dimension_numbers = #tpu.dot_dimension_numbers<[1], [0], [0], [1], [0, 0, 1, 1], [], []>, precision = #tpu.contract_precision<fp32>, transpose_lhs_hint = false} : vector<1x2048xf32>, vector<2048x8xf32>, vector<1x8xf32> -> vector<1x8xf32>
    %add3A_137 = arith.addf %get3A_134, %dot_general3A_136 : vector<1x8xf32>
    %swap3A_138 = arith.constant 0 : index
    %swap3A_139 = arith.constant 0 : index
    %swap3A_140 = vector.load %arg19[%swap3A_138, %swap3A_139] : memref<8x8xf32, #tpu.memory_space<vmem>>, vector<1x8xf32>
    tpu.vector_store %arg19[%swap3A_138, %swap3A_139], %add3A_137 {strides = array<i32>} : memref<8x8xf32, #tpu.memory_space<vmem>>, vector<1x8xf32>,
    %get3A_141 = arith.constant 1 : index
    %get3A_142 = arith.constant 0 : index
    %get3A_143 = vector.load %arg19[%get3A_141, %get3A_142] : memref<8x8xf32, #tpu.memory_space<vmem>>, vector<1x8xf32>
    %mul3A_144 = arith.mulf %dot_general3A_80, %dot_general3A_80 : vector<2048x8xf32>
    %dot_general3A_145 = arith.constant dense<0.000000e+00> : vector<1x8xf32>
    %dot_general3A_146 = tpu.matmul %broadcast_in_dim3A_131, %mul3A_144, %dot_general3A_145 {dimension_numbers = #tpu.dot_dimension_numbers<[1], [0], [0], [1], [0, 0, 1, 1], [], []>, precision = #tpu.contract_precision<fp32>, transpose_lhs_hint = false} : vector<1x2048xf32>, vector<2048x8xf32>, vector<1x8xf32> -> vector<1x8xf32>
    %add3A_147 = arith.addf %get3A_143, %dot_general3A_146 : vector<1x8xf32>
    %swap3A_148 = arith.constant 1 : index
    %swap3A_149 = arith.constant 0 : index
    %swap3A_150 = vector.load %arg19[%swap3A_148, %swap3A_149] : memref<8x8xf32, #tpu.memory_space<vmem>>, vector<1x8xf32>
    tpu.vector_store %arg19[%swap3A_148, %swap3A_149], %add3A_147 {strides = array<i32>} : memref<8x8xf32, #tpu.memory_space<vmem>>, vector<1x8xf32>,
    %eq3A_151 = arith.constant 0 : i32
    %eq3A_152 = arith.cmpi eq, %arg0, %eq3A_151 : i32
    %convert_element_type3A_153 = arith.extui %eq3A_152 : i1 to i32
    %cond3A_154 = arith.constant 0 : i32
    %cond3A_155 = arith.cmpi ne, %convert_element_type3A_153, %cond3A_154 : i32
    scf.if %cond3A_155 {
      %broadcast_in_dim3A_177 = arith.constant 0.000000e+00 : f32
      %broadcast_in_dim3A_178 = vector.broadcast %broadcast_in_dim3A_177 : f32 to vector<8x16xf32>
      %swap3A_179 = arith.constant 0 : index
      %swap3A_180 = arith.constant 0 : index
      %swap3A_181 = vector.load %arg20[%swap3A_179, %swap3A_180] : memref<8x16xf32, #tpu.memory_space<vmem>>, vector<8x16xf32>
      tpu.vector_store %arg20[%swap3A_179, %swap3A_180], %broadcast_in_dim3A_178 {strides = array<i32>} : memref<8x16xf32, #tpu.memory_space<vmem>>, vector<8x16xf32>,
    } else {
    }
    %broadcast_in_dim3A_156 = arith.constant 1.000000e+00 : f32
    %broadcast_in_dim3A_157 = vector.broadcast %broadcast_in_dim3A_156 : f32 to vector<1x2048xf32>
    %get3A_158 = arith.constant 0 : index
    %get3A_159 = arith.constant 0 : index
    %get3A_160 = vector.load %arg20[%get3A_158, %get3A_159] : memref<8x16xf32, #tpu.memory_space<vmem>>, vector<1x16xf32>
    %dot_general3A_161 = arith.constant dense<0.000000e+00> : vector<1x16xf32>
    %dot_general3A_162 = tpu.matmul %broadcast_in_dim3A_157, %add3A_94, %dot_general3A_161 {dimension_numbers = #tpu.dot_dimension_numbers<[1], [0], [0], [1], [0, 0, 1, 1], [], []>, precision = #tpu.contract_precision<fp32>, transpose_lhs_hint = false} : vector<1x2048xf32>, vector<2048x16xf32>, vector<1x16xf32> -> vector<1x16xf32>
    %add3A_163 = arith.addf %get3A_160, %dot_general3A_162 : vector<1x16xf32>
    %swap3A_164 = arith.constant 0 : index
    %swap3A_165 = arith.constant 0 : index
    %swap3A_166 = vector.load %arg20[%swap3A_164, %swap3A_165] : memref<8x16xf32, #tpu.memory_space<vmem>>, vector<1x16xf32>
    tpu.vector_store %arg20[%swap3A_164, %swap3A_165], %add3A_163 {strides = array<i32>} : memref<8x16xf32, #tpu.memory_space<vmem>>, vector<1x16xf32>,
    %get3A_167 = arith.constant 1 : index
    %get3A_168 = arith.constant 0 : index
    %get3A_169 = vector.load %arg20[%get3A_167, %get3A_168] : memref<8x16xf32, #tpu.memory_space<vmem>>, vector<1x16xf32>
    %mul3A_170 = arith.mulf %add3A_94, %add3A_94 : vector<2048x16xf32>
    %dot_general3A_171 = arith.constant dense<0.000000e+00> : vector<1x16xf32>
    %dot_general3A_172 = tpu.matmul %broadcast_in_dim3A_157, %mul3A_170, %dot_general3A_171 {dimension_numbers = #tpu.dot_dimension_numbers<[1], [0], [0], [1], [0, 0, 1, 1], [], []>, precision = #tpu.contract_precision<fp32>, transpose_lhs_hint = false} : vector<1x2048xf32>, vector<2048x16xf32>, vector<1x16xf32> -> vector<1x16xf32>
    %add3A_173 = arith.addf %get3A_169, %dot_general3A_172 : vector<1x16xf32>
    %swap3A_174 = arith.constant 1 : index
    %swap3A_175 = arith.constant 0 : index
    %swap3A_176 = vector.load %arg20[%swap3A_174, %swap3A_175] : memref<8x16xf32, #tpu.memory_space<vmem>>, vector<1x16xf32>
    tpu.vector_store %arg20[%swap3A_174, %swap3A_175], %add3A_173 {strides = array<i32>} : memref<8x16xf32, #tpu.memory_space<vmem>>, vector<1x16xf32>,
    return
  }
  func.func @transform_0(%arg0: i32) -> (i32, i32) {
    %c0_i32 = arith.constant 0 : i32
    %c0_i32_0 = arith.constant 0 : i32
    return %arg0, %c0_i32 : i32, i32
  }
  func.func @transform_1(%arg0: i32) -> (i32, i32) {
    %c0_i32 = arith.constant 0 : i32
    %c0_i32_0 = arith.constant 0 : i32
    %c0_i32_1 = arith.constant 0 : i32
    return %c0_i32, %c0_i32_0 : i32, i32
  }
  func.func @transform_2(%arg0: i32) -> (i32, i32) {
    %c0_i32 = arith.constant 0 : i32
    %c0_i32_0 = arith.constant 0 : i32
    %c0_i32_1 = arith.constant 0 : i32
    return %c0_i32, %c0_i32_0 : i32, i32
  }
  func.func @transform_3(%arg0: i32) -> (i32, i32) {
    %c0_i32 = arith.constant 0 : i32
    %c0_i32_0 = arith.constant 0 : i32
    %c0_i32_1 = arith.constant 0 : i32
    return %c0_i32, %c0_i32_0 : i32, i32
  }
  func.func @transform_4(%arg0: i32) -> (i32, i32) {
    %c0_i32 = arith.constant 0 : i32
    %c0_i32_0 = arith.constant 0 : i32
    %c0_i32_1 = arith.constant 0 : i32
    return %c0_i32, %c0_i32_0 : i32, i32
  }
  func.func @transform_5(%arg0: i32) -> (i32, i32) {
    %c0_i32 = arith.constant 0 : i32
    %c0_i32_0 = arith.constant 0 : i32
    %c0_i32_1 = arith.constant 0 : i32
    return %c0_i32, %c0_i32_0 : i32, i32
  }
  func.func @transform_6(%arg0: i32) -> (i32, i32) {
    %c0_i32 = arith.constant 0 : i32
    %c0_i32_0 = arith.constant 0 : i32
    return %arg0, %c0_i32 : i32, i32
  }
  func.func @transform_7(%arg0: i32) -> (i32, i32) {
    %c0_i32 = arith.constant 0 : i32
    %c0_i32_0 = arith.constant 0 : i32
    %c0_i32_1 = arith.constant 0 : i32
    return %c0_i32, %c0_i32_0 : i32, i32
  }
  func.func @transform_8(%arg0: i32) -> (i32, i32) {
    %c0_i32 = arith.constant 0 : i32
    %c0_i32_0 = arith.constant 0 : i32
    %c0_i32_1 = arith.constant 0 : i32
    return %c0_i32, %c0_i32_0 : i32, i32
  }
  func.func @transform_9(%arg0: i32) -> (i32, i32) {
    %c0_i32 = arith.constant 0 : i32
    %c0_i32_0 = arith.constant 0 : i32
    %c0_i32_1 = arith.constant 0 : i32
    return %c0_i32, %c0_i32_0 : i32, i32
  }
  func.func @transform_10(%arg0: i32) -> (i32, i32) {
    %c0_i32 = arith.constant 0 : i32
    %c0_i32_0 = arith.constant 0 : i32
    %c0_i32_1 = arith.constant 0 : i32
    return %c0_i32, %c0_i32_0 : i32, i32
  }
  func.func @transform_11(%arg0: i32) -> (i32, i32) {
    %c0_i32 = arith.constant 0 : i32
    %c0_i32_0 = arith.constant 0 : i32
    return %arg0, %c0_i32 : i32, i32
  }
  func.func @transform_12(%arg0: i32) -> (i32, i32) {
    %c0_i32 = arith.constant 0 : i32
    %c0_i32_0 = arith.constant 0 : i32
    %c0_i32_1 = arith.constant 0 : i32
    return %c0_i32, %c0_i32_0 : i32, i32
  }
  func.func @transform_13(%arg0: i32) -> (i32, i32) {
    %c0_i32 = arith.constant 0 : i32
    %c0_i32_0 = arith.constant 0 : i32
    %c0_i32_1 = arith.constant 0 : i32
    return %c0_i32, %c0_i32_0 : i32, i32
  }
  func.func @transform_14(%arg0: i32) -> (i32, i32) {
    %c0_i32 = arith.constant 0 : i32
    %c0_i32_0 = arith.constant 0 : i32
    return %arg0, %c0_i32 : i32, i32
  }
  func.func @transform_15(%arg0: i32) -> (i32, i32) {
    %c0_i32 = arith.constant 0 : i32
    %c0_i32_0 = arith.constant 0 : i32
    return %arg0, %c0_i32 : i32, i32
  }
  func.func @transform_16(%arg0: i32) -> (i32, i32) {
    %c0_i32 = arith.constant 0 : i32
    %c0_i32_0 = arith.constant 0 : i32
    return %arg0, %c0_i32 : i32, i32
  }
  func.func @transform_17(%arg0: i32) -> (i32, i32) {
    %c0_i32 = arith.constant 0 : i32
    %c0_i32_0 = arith.constant 0 : i32
    %c0_i32_1 = arith.constant 0 : i32
    return %c0_i32, %c0_i32_0 : i32, i32
  }
  func.func @transform_18(%arg0: i32) -> (i32, i32) {
    %c0_i32 = arith.constant 0 : i32
    %c0_i32_0 = arith.constant 0 : i32
    %c0_i32_1 = arith.constant 0 : i32
    return %c0_i32, %c0_i32_0 : i32, i32
  }
  func.func @transform_19(%arg0: i32) -> (i32, i32) {
    %c0_i32 = arith.constant 0 : i32
    %c0_i32_0 = arith.constant 0 : i32
    %c0_i32_1 = arith.constant 0 : i32
    return %c0_i32, %c0_i32_0 : i32, i32
  }
}

module attributes {stable_mosaic.version = 14 : i64} {
  func.func @_p3_body(%arg0: i32, %arg1: memref<2048x8xf32, #tpu.memory_space<vmem>>, %arg2: memref<8x8xf32, #tpu.memory_space<vmem>>, %arg3: memref<1x8xf32, #tpu.memory_space<vmem>>, %arg4: memref<1x8xf32, #tpu.memory_space<vmem>>, %arg5: memref<8x16xf32, #tpu.memory_space<vmem>>, %arg6: memref<2048x16xf32, #tpu.memory_space<vmem>>, %arg7: memref<8x16xf32, #tpu.memory_space<vmem>>, %arg8: memref<1x16xf32, #tpu.memory_space<vmem>>, %arg9: memref<1x16xf32, #tpu.memory_space<vmem>>, %arg10: memref<16x8xf32, #tpu.memory_space<vmem>>, %arg11: memref<2048x16xf32, #tpu.memory_space<vmem>>, %arg12: memref<2048x8xf32, #tpu.memory_space<vmem>>, %arg13: memref<8x16xf32, #tpu.memory_space<vmem>>, %arg14: memref<8x8xf32, #tpu.memory_space<vmem>>) attributes {dimension_semantics = [#tpu.dimension_semantics<arbitrary>], iteration_bounds = array<i64: 64>, scalar_prefetch = 0 : i64, scratch_operands = 0 : i64, tpu.core_type = #tpu.core_type<tc>, window_params = [{transform_indices = @transform_0, window_bounds = array<i64: 2048, 8>}, {pipeline_mode = #tpu.pipeline_mode<synchronous>, transform_indices = @transform_1, window_bounds = array<i64: 8, 8>}, {pipeline_mode = #tpu.pipeline_mode<synchronous>, transform_indices = @transform_2, window_bounds = array<i64: 1, 8>}, {pipeline_mode = #tpu.pipeline_mode<synchronous>, transform_indices = @transform_3, window_bounds = array<i64: 1, 8>}, {pipeline_mode = #tpu.pipeline_mode<synchronous>, transform_indices = @transform_4, window_bounds = array<i64: 8, 16>}, {transform_indices = @transform_5, window_bounds = array<i64: 2048, 16>}, {pipeline_mode = #tpu.pipeline_mode<synchronous>, transform_indices = @transform_6, window_bounds = array<i64: 8, 16>}, {pipeline_mode = #tpu.pipeline_mode<synchronous>, transform_indices = @transform_7, window_bounds = array<i64: 1, 16>}, {pipeline_mode = #tpu.pipeline_mode<synchronous>, transform_indices = @transform_8, window_bounds = array<i64: 1, 16>}, {pipeline_mode = #tpu.pipeline_mode<synchronous>, transform_indices = @transform_9, window_bounds = array<i64: 16, 8>}, {transform_indices = @transform_10, window_bounds = array<i64: 2048, 16>}, {transform_indices = @transform_11, window_bounds = array<i64: 2048, 8>}, {pipeline_mode = #tpu.pipeline_mode<synchronous>, transform_indices = @transform_12, window_bounds = array<i64: 8, 16>}, {pipeline_mode = #tpu.pipeline_mode<synchronous>, transform_indices = @transform_13, window_bounds = array<i64: 8, 8>}]} {
    %get3A = arith.constant 0 : index
    %get3A_0 = arith.constant 0 : index
    %get3A_1 = vector.load %arg1[%get3A, %get3A_0] : memref<2048x8xf32, #tpu.memory_space<vmem>>, vector<2048x8xf32>
    %get3A_2 = arith.constant 0 : index
    %get3A_3 = arith.constant 0 : index
    %get3A_4 = vector.load %arg2[%get3A_2, %get3A_3] : memref<8x8xf32, #tpu.memory_space<vmem>>, vector<1x8xf32>
    %mul3A = arith.constant 7.62939453E-6 : f32
    %mul3A_5 = vector.broadcast %mul3A : f32 to vector<1x8xf32>
    %mul3A_6 = arith.mulf %get3A_4, %mul3A_5 : vector<1x8xf32>
    %get3A_7 = arith.constant 1 : index
    %get3A_8 = arith.constant 0 : index
    %get3A_9 = vector.load %arg2[%get3A_7, %get3A_8] : memref<8x8xf32, #tpu.memory_space<vmem>>, vector<1x8xf32>
    %mul3A_10 = arith.constant 7.62939453E-6 : f32
    %mul3A_11 = vector.broadcast %mul3A_10 : f32 to vector<1x8xf32>
    %mul3A_12 = arith.mulf %get3A_9, %mul3A_11 : vector<1x8xf32>
    %mul3A_13 = arith.mulf %mul3A_6, %mul3A_6 : vector<1x8xf32>
    %sub3A = arith.subf %mul3A_12, %mul3A_13 : vector<1x8xf32>
    %get3A_14 = arith.constant 0 : index
    %get3A_15 = arith.constant 0 : index
    %get3A_16 = vector.load %arg3[%get3A_14, %get3A_15] : memref<1x8xf32, #tpu.memory_space<vmem>>, vector<1x8xf32>
    %add3A = arith.constant 9.99999974E-6 : f32
    %add3A_17 = vector.broadcast %add3A : f32 to vector<1x8xf32>
    %add3A_18 = arith.addf %sub3A, %add3A_17 : vector<1x8xf32>
    %sqrt3A = math.sqrt %add3A_18 : vector<1x8xf32>
    %div3A = arith.divf %get3A_16, %sqrt3A : vector<1x8xf32>
    %get3A_19 = arith.constant 0 : index
    %get3A_20 = arith.constant 0 : index
    %get3A_21 = vector.load %arg4[%get3A_19, %get3A_20] : memref<1x8xf32, #tpu.memory_space<vmem>>, vector<1x8xf32>
    %mul3A_22 = arith.mulf %mul3A_6, %div3A : vector<1x8xf32>
    %sub3A_23 = arith.subf %get3A_21, %mul3A_22 : vector<1x8xf32>
    %mul3A_24 = vector.broadcast %div3A : vector<1x8xf32> to vector<2048x8xf32>
    %mul3A_25 = arith.mulf %get3A_1, %mul3A_24 : vector<2048x8xf32>
    %add3A_26 = vector.broadcast %sub3A_23 : vector<1x8xf32> to vector<2048x8xf32>
    %add3A_27 = arith.addf %mul3A_25, %add3A_26 : vector<2048x8xf32>
    %max3A = arith.constant 0.000000e+00 : f32
    %max3A_28 = vector.broadcast %max3A : f32 to vector<2048x8xf32>
    %max3A_29 = arith.maximumf %add3A_27, %max3A_28 : vector<2048x8xf32>
    %get3A_30 = arith.constant 0 : index
    %get3A_31 = arith.constant 0 : index
    %get3A_32 = vector.load %arg5[%get3A_30, %get3A_31] : memref<8x16xf32, #tpu.memory_space<vmem>>, vector<8x16xf32>
    %dot_general3A = arith.constant dense<0.000000e+00> : vector<2048x16xf32>
    %dot_general3A_33 = tpu.matmul %max3A_29, %get3A_32, %dot_general3A {dimension_numbers = #tpu.dot_dimension_numbers<[1], [0], [0], [1], [0, 0, 1, 1], [], []>, transpose_lhs_hint = false} : vector<2048x8xf32>, vector<8x16xf32>, vector<2048x16xf32> -> vector<2048x16xf32>
    %get3A_34 = arith.constant 0 : index
    %get3A_35 = arith.constant 0 : index
    %get3A_36 = vector.load %arg6[%get3A_34, %get3A_35] : memref<2048x16xf32, #tpu.memory_space<vmem>>, vector<2048x16xf32>
    %get3A_37 = arith.constant 0 : index
    %get3A_38 = arith.constant 0 : index
    %get3A_39 = vector.load %arg7[%get3A_37, %get3A_38] : memref<8x16xf32, #tpu.memory_space<vmem>>, vector<1x16xf32>
    %mul3A_40 = arith.constant 7.62939453E-6 : f32
    %mul3A_41 = vector.broadcast %mul3A_40 : f32 to vector<1x16xf32>
    %mul3A_42 = arith.mulf %get3A_39, %mul3A_41 : vector<1x16xf32>
    %get3A_43 = arith.constant 1 : index
    %get3A_44 = arith.constant 0 : index
    %get3A_45 = vector.load %arg7[%get3A_43, %get3A_44] : memref<8x16xf32, #tpu.memory_space<vmem>>, vector<1x16xf32>
    %mul3A_46 = arith.constant 7.62939453E-6 : f32
    %mul3A_47 = vector.broadcast %mul3A_46 : f32 to vector<1x16xf32>
    %mul3A_48 = arith.mulf %get3A_45, %mul3A_47 : vector<1x16xf32>
    %mul3A_49 = arith.mulf %mul3A_42, %mul3A_42 : vector<1x16xf32>
    %sub3A_50 = arith.subf %mul3A_48, %mul3A_49 : vector<1x16xf32>
    %get3A_51 = arith.constant 0 : index
    %get3A_52 = arith.constant 0 : index
    %get3A_53 = vector.load %arg8[%get3A_51, %get3A_52] : memref<1x16xf32, #tpu.memory_space<vmem>>, vector<1x16xf32>
    %add3A_54 = arith.constant 9.99999974E-6 : f32
    %add3A_55 = vector.broadcast %add3A_54 : f32 to vector<1x16xf32>
    %add3A_56 = arith.addf %sub3A_50, %add3A_55 : vector<1x16xf32>
    %sqrt3A_57 = math.sqrt %add3A_56 : vector<1x16xf32>
    %div3A_58 = arith.divf %get3A_53, %sqrt3A_57 : vector<1x16xf32>
    %get3A_59 = arith.constant 0 : index
    %get3A_60 = arith.constant 0 : index
    %get3A_61 = vector.load %arg9[%get3A_59, %get3A_60] : memref<1x16xf32, #tpu.memory_space<vmem>>, vector<1x16xf32>
    %mul3A_62 = arith.mulf %mul3A_42, %div3A_58 : vector<1x16xf32>
    %sub3A_63 = arith.subf %get3A_61, %mul3A_62 : vector<1x16xf32>
    %mul3A_64 = vector.broadcast %div3A_58 : vector<1x16xf32> to vector<2048x16xf32>
    %mul3A_65 = arith.mulf %get3A_36, %mul3A_64 : vector<2048x16xf32>
    %add3A_66 = vector.broadcast %sub3A_63 : vector<1x16xf32> to vector<2048x16xf32>
    %add3A_67 = arith.addf %mul3A_65, %add3A_66 : vector<2048x16xf32>
    %max3A_68 = arith.constant 0.000000e+00 : f32
    %max3A_69 = vector.broadcast %max3A_68 : f32 to vector<2048x16xf32>
    %max3A_70 = arith.maximumf %add3A_67, %max3A_69 : vector<2048x16xf32>
    %get3A_71 = arith.constant 0 : index
    %get3A_72 = arith.constant 0 : index
    %get3A_73 = vector.load %arg10[%get3A_71, %get3A_72] : memref<16x8xf32, #tpu.memory_space<vmem>>, vector<16x8xf32>
    %dot_general3A_74 = arith.constant dense<0.000000e+00> : vector<2048x8xf32>
    %dot_general3A_75 = tpu.matmul %max3A_70, %get3A_73, %dot_general3A_74 {dimension_numbers = #tpu.dot_dimension_numbers<[1], [0], [0], [1], [0, 0, 1, 1], [], []>, transpose_lhs_hint = false} : vector<2048x16xf32>, vector<16x8xf32>, vector<2048x8xf32> -> vector<2048x8xf32>
    %swap3A = arith.constant 0 : index
    %swap3A_76 = arith.constant 0 : index
    %swap3A_77 = vector.load %arg11[%swap3A, %swap3A_76] : memref<2048x16xf32, #tpu.memory_space<vmem>>, vector<2048x16xf32>
    tpu.vector_store %arg11[%swap3A, %swap3A_76], %dot_general3A_33 {strides = array<i32>} : memref<2048x16xf32, #tpu.memory_space<vmem>>, vector<2048x16xf32>,
    %swap3A_78 = arith.constant 0 : index
    %swap3A_79 = arith.constant 0 : index
    %swap3A_80 = vector.load %arg12[%swap3A_78, %swap3A_79] : memref<2048x8xf32, #tpu.memory_space<vmem>>, vector<2048x8xf32>
    tpu.vector_store %arg12[%swap3A_78, %swap3A_79], %dot_general3A_75 {strides = array<i32>} : memref<2048x8xf32, #tpu.memory_space<vmem>>, vector<2048x8xf32>,
    %eq3A = arith.constant 0 : i32
    %eq3A_81 = arith.cmpi eq, %arg0, %eq3A : i32
    %convert_element_type3A = arith.extui %eq3A_81 : i1 to i32
    %cond3A = arith.constant 0 : i32
    %cond3A_82 = arith.cmpi ne, %convert_element_type3A, %cond3A : i32
    scf.if %cond3A_82 {
      %broadcast_in_dim3A_129 = arith.constant 0.000000e+00 : f32
      %broadcast_in_dim3A_130 = vector.broadcast %broadcast_in_dim3A_129 : f32 to vector<8x16xf32>
      %swap3A_131 = arith.constant 0 : index
      %swap3A_132 = arith.constant 0 : index
      %swap3A_133 = vector.load %arg13[%swap3A_131, %swap3A_132] : memref<8x16xf32, #tpu.memory_space<vmem>>, vector<8x16xf32>
      tpu.vector_store %arg13[%swap3A_131, %swap3A_132], %broadcast_in_dim3A_130 {strides = array<i32>} : memref<8x16xf32, #tpu.memory_space<vmem>>, vector<8x16xf32>,
    } else {
    }
    %broadcast_in_dim3A = arith.constant 1.000000e+00 : f32
    %broadcast_in_dim3A_83 = vector.broadcast %broadcast_in_dim3A : f32 to vector<1x2048xf32>
    %get3A_84 = arith.constant 0 : index
    %get3A_85 = arith.constant 0 : index
    %get3A_86 = vector.load %arg13[%get3A_84, %get3A_85] : memref<8x16xf32, #tpu.memory_space<vmem>>, vector<1x16xf32>
    %dot_general3A_87 = arith.constant dense<0.000000e+00> : vector<1x16xf32>
    %dot_general3A_88 = tpu.matmul %broadcast_in_dim3A_83, %dot_general3A_33, %dot_general3A_87 {dimension_numbers = #tpu.dot_dimension_numbers<[1], [0], [0], [1], [0, 0, 1, 1], [], []>, precision = #tpu.contract_precision<fp32>, transpose_lhs_hint = false} : vector<1x2048xf32>, vector<2048x16xf32>, vector<1x16xf32> -> vector<1x16xf32>
    %add3A_89 = arith.addf %get3A_86, %dot_general3A_88 : vector<1x16xf32>
    %swap3A_90 = arith.constant 0 : index
    %swap3A_91 = arith.constant 0 : index
    %swap3A_92 = vector.load %arg13[%swap3A_90, %swap3A_91] : memref<8x16xf32, #tpu.memory_space<vmem>>, vector<1x16xf32>
    tpu.vector_store %arg13[%swap3A_90, %swap3A_91], %add3A_89 {strides = array<i32>} : memref<8x16xf32, #tpu.memory_space<vmem>>, vector<1x16xf32>,
    %get3A_93 = arith.constant 1 : index
    %get3A_94 = arith.constant 0 : index
    %get3A_95 = vector.load %arg13[%get3A_93, %get3A_94] : memref<8x16xf32, #tpu.memory_space<vmem>>, vector<1x16xf32>
    %mul3A_96 = arith.mulf %dot_general3A_33, %dot_general3A_33 : vector<2048x16xf32>
    %dot_general3A_97 = arith.constant dense<0.000000e+00> : vector<1x16xf32>
    %dot_general3A_98 = tpu.matmul %broadcast_in_dim3A_83, %mul3A_96, %dot_general3A_97 {dimension_numbers = #tpu.dot_dimension_numbers<[1], [0], [0], [1], [0, 0, 1, 1], [], []>, precision = #tpu.contract_precision<fp32>, transpose_lhs_hint = false} : vector<1x2048xf32>, vector<2048x16xf32>, vector<1x16xf32> -> vector<1x16xf32>
    %add3A_99 = arith.addf %get3A_95, %dot_general3A_98 : vector<1x16xf32>
    %swap3A_100 = arith.constant 1 : index
    %swap3A_101 = arith.constant 0 : index
    %swap3A_102 = vector.load %arg13[%swap3A_100, %swap3A_101] : memref<8x16xf32, #tpu.memory_space<vmem>>, vector<1x16xf32>
    tpu.vector_store %arg13[%swap3A_100, %swap3A_101], %add3A_99 {strides = array<i32>} : memref<8x16xf32, #tpu.memory_space<vmem>>, vector<1x16xf32>,
    %eq3A_103 = arith.constant 0 : i32
    %eq3A_104 = arith.cmpi eq, %arg0, %eq3A_103 : i32
    %convert_element_type3A_105 = arith.extui %eq3A_104 : i1 to i32
    %cond3A_106 = arith.constant 0 : i32
    %cond3A_107 = arith.cmpi ne, %convert_element_type3A_105, %cond3A_106 : i32
    scf.if %cond3A_107 {
      %broadcast_in_dim3A_129 = arith.constant 0.000000e+00 : f32
      %broadcast_in_dim3A_130 = vector.broadcast %broadcast_in_dim3A_129 : f32 to vector<8x8xf32>
      %swap3A_131 = arith.constant 0 : index
      %swap3A_132 = arith.constant 0 : index
      %swap3A_133 = vector.load %arg14[%swap3A_131, %swap3A_132] : memref<8x8xf32, #tpu.memory_space<vmem>>, vector<8x8xf32>
      tpu.vector_store %arg14[%swap3A_131, %swap3A_132], %broadcast_in_dim3A_130 {strides = array<i32>} : memref<8x8xf32, #tpu.memory_space<vmem>>, vector<8x8xf32>,
    } else {
    }
    %broadcast_in_dim3A_108 = arith.constant 1.000000e+00 : f32
    %broadcast_in_dim3A_109 = vector.broadcast %broadcast_in_dim3A_108 : f32 to vector<1x2048xf32>
    %get3A_110 = arith.constant 0 : index
    %get3A_111 = arith.constant 0 : index
    %get3A_112 = vector.load %arg14[%get3A_110, %get3A_111] : memref<8x8xf32, #tpu.memory_space<vmem>>, vector<1x8xf32>
    %dot_general3A_113 = arith.constant dense<0.000000e+00> : vector<1x8xf32>
    %dot_general3A_114 = tpu.matmul %broadcast_in_dim3A_109, %dot_general3A_75, %dot_general3A_113 {dimension_numbers = #tpu.dot_dimension_numbers<[1], [0], [0], [1], [0, 0, 1, 1], [], []>, precision = #tpu.contract_precision<fp32>, transpose_lhs_hint = false} : vector<1x2048xf32>, vector<2048x8xf32>, vector<1x8xf32> -> vector<1x8xf32>
    %add3A_115 = arith.addf %get3A_112, %dot_general3A_114 : vector<1x8xf32>
    %swap3A_116 = arith.constant 0 : index
    %swap3A_117 = arith.constant 0 : index
    %swap3A_118 = vector.load %arg14[%swap3A_116, %swap3A_117] : memref<8x8xf32, #tpu.memory_space<vmem>>, vector<1x8xf32>
    tpu.vector_store %arg14[%swap3A_116, %swap3A_117], %add3A_115 {strides = array<i32>} : memref<8x8xf32, #tpu.memory_space<vmem>>, vector<1x8xf32>,
    %get3A_119 = arith.constant 1 : index
    %get3A_120 = arith.constant 0 : index
    %get3A_121 = vector.load %arg14[%get3A_119, %get3A_120] : memref<8x8xf32, #tpu.memory_space<vmem>>, vector<1x8xf32>
    %mul3A_122 = arith.mulf %dot_general3A_75, %dot_general3A_75 : vector<2048x8xf32>
    %dot_general3A_123 = arith.constant dense<0.000000e+00> : vector<1x8xf32>
    %dot_general3A_124 = tpu.matmul %broadcast_in_dim3A_109, %mul3A_122, %dot_general3A_123 {dimension_numbers = #tpu.dot_dimension_numbers<[1], [0], [0], [1], [0, 0, 1, 1], [], []>, precision = #tpu.contract_precision<fp32>, transpose_lhs_hint = false} : vector<1x2048xf32>, vector<2048x8xf32>, vector<1x8xf32> -> vector<1x8xf32>
    %add3A_125 = arith.addf %get3A_121, %dot_general3A_124 : vector<1x8xf32>
    %swap3A_126 = arith.constant 1 : index
    %swap3A_127 = arith.constant 0 : index
    %swap3A_128 = vector.load %arg14[%swap3A_126, %swap3A_127] : memref<8x8xf32, #tpu.memory_space<vmem>>, vector<1x8xf32>
    tpu.vector_store %arg14[%swap3A_126, %swap3A_127], %add3A_125 {strides = array<i32>} : memref<8x8xf32, #tpu.memory_space<vmem>>, vector<1x8xf32>,
    return
  }
  func.func @transform_0(%arg0: i32) -> (i32, i32) {
    %c0_i32 = arith.constant 0 : i32
    %c0_i32_0 = arith.constant 0 : i32
    return %arg0, %c0_i32 : i32, i32
  }
  func.func @transform_1(%arg0: i32) -> (i32, i32) {
    %c0_i32 = arith.constant 0 : i32
    %c0_i32_0 = arith.constant 0 : i32
    %c0_i32_1 = arith.constant 0 : i32
    return %c0_i32, %c0_i32_0 : i32, i32
  }
  func.func @transform_2(%arg0: i32) -> (i32, i32) {
    %c0_i32 = arith.constant 0 : i32
    %c0_i32_0 = arith.constant 0 : i32
    %c0_i32_1 = arith.constant 0 : i32
    return %c0_i32, %c0_i32_0 : i32, i32
  }
  func.func @transform_3(%arg0: i32) -> (i32, i32) {
    %c0_i32 = arith.constant 0 : i32
    %c0_i32_0 = arith.constant 0 : i32
    %c0_i32_1 = arith.constant 0 : i32
    return %c0_i32, %c0_i32_0 : i32, i32
  }
  func.func @transform_4(%arg0: i32) -> (i32, i32) {
    %c0_i32 = arith.constant 0 : i32
    %c0_i32_0 = arith.constant 0 : i32
    %c0_i32_1 = arith.constant 0 : i32
    return %c0_i32, %c0_i32_0 : i32, i32
  }
  func.func @transform_5(%arg0: i32) -> (i32, i32) {
    %c0_i32 = arith.constant 0 : i32
    %c0_i32_0 = arith.constant 0 : i32
    return %arg0, %c0_i32 : i32, i32
  }
  func.func @transform_6(%arg0: i32) -> (i32, i32) {
    %c0_i32 = arith.constant 0 : i32
    %c0_i32_0 = arith.constant 0 : i32
    %c0_i32_1 = arith.constant 0 : i32
    return %c0_i32, %c0_i32_0 : i32, i32
  }
  func.func @transform_7(%arg0: i32) -> (i32, i32) {
    %c0_i32 = arith.constant 0 : i32
    %c0_i32_0 = arith.constant 0 : i32
    %c0_i32_1 = arith.constant 0 : i32
    return %c0_i32, %c0_i32_0 : i32, i32
  }
  func.func @transform_8(%arg0: i32) -> (i32, i32) {
    %c0_i32 = arith.constant 0 : i32
    %c0_i32_0 = arith.constant 0 : i32
    %c0_i32_1 = arith.constant 0 : i32
    return %c0_i32, %c0_i32_0 : i32, i32
  }
  func.func @transform_9(%arg0: i32) -> (i32, i32) {
    %c0_i32 = arith.constant 0 : i32
    %c0_i32_0 = arith.constant 0 : i32
    %c0_i32_1 = arith.constant 0 : i32
    return %c0_i32, %c0_i32_0 : i32, i32
  }
  func.func @transform_10(%arg0: i32) -> (i32, i32) {
    %c0_i32 = arith.constant 0 : i32
    %c0_i32_0 = arith.constant 0 : i32
    return %arg0, %c0_i32 : i32, i32
  }
  func.func @transform_11(%arg0: i32) -> (i32, i32) {
    %c0_i32 = arith.constant 0 : i32
    %c0_i32_0 = arith.constant 0 : i32
    return %arg0, %c0_i32 : i32, i32
  }
  func.func @transform_12(%arg0: i32) -> (i32, i32) {
    %c0_i32 = arith.constant 0 : i32
    %c0_i32_0 = arith.constant 0 : i32
    %c0_i32_1 = arith.constant 0 : i32
    return %c0_i32, %c0_i32_0 : i32, i32
  }
  func.func @transform_13(%arg0: i32) -> (i32, i32) {
    %c0_i32 = arith.constant 0 : i32
    %c0_i32_0 = arith.constant 0 : i32
    %c0_i32_1 = arith.constant 0 : i32
    return %c0_i32, %c0_i32_0 : i32, i32
  }
}

module attributes {stable_mosaic.version = 14 : i64} {
  func.func @_p4_body(%arg0: i32, %arg1: memref<2048x8xf32, #tpu.memory_space<vmem>>, %arg2: memref<8x8xf32, #tpu.memory_space<vmem>>, %arg3: memref<1x8xf32, #tpu.memory_space<vmem>>, %arg4: memref<1x8xf32, #tpu.memory_space<vmem>>, %arg5: memref<8x1xf32, #tpu.memory_space<vmem>>, %arg6: memref<2048x1xf32, #tpu.memory_space<vmem>>, %arg7: memref<8x1xf32, #tpu.memory_space<vmem>>) attributes {dimension_semantics = [#tpu.dimension_semantics<arbitrary>], iteration_bounds = array<i64: 64>, scalar_prefetch = 0 : i64, scratch_operands = 0 : i64, tpu.core_type = #tpu.core_type<tc>, window_params = [{transform_indices = @transform_0, window_bounds = array<i64: 2048, 8>}, {pipeline_mode = #tpu.pipeline_mode<synchronous>, transform_indices = @transform_1, window_bounds = array<i64: 8, 8>}, {pipeline_mode = #tpu.pipeline_mode<synchronous>, transform_indices = @transform_2, window_bounds = array<i64: 1, 8>}, {pipeline_mode = #tpu.pipeline_mode<synchronous>, transform_indices = @transform_3, window_bounds = array<i64: 1, 8>}, {pipeline_mode = #tpu.pipeline_mode<synchronous>, transform_indices = @transform_4, window_bounds = array<i64: 8, 1>}, {transform_indices = @transform_5, window_bounds = array<i64: 2048, 1>}, {pipeline_mode = #tpu.pipeline_mode<synchronous>, transform_indices = @transform_6, window_bounds = array<i64: 8, 1>}]} {
    %get3A = arith.constant 0 : index
    %get3A_0 = arith.constant 0 : index
    %get3A_1 = vector.load %arg1[%get3A, %get3A_0] : memref<2048x8xf32, #tpu.memory_space<vmem>>, vector<2048x8xf32>
    %get3A_2 = arith.constant 0 : index
    %get3A_3 = arith.constant 0 : index
    %get3A_4 = vector.load %arg2[%get3A_2, %get3A_3] : memref<8x8xf32, #tpu.memory_space<vmem>>, vector<1x8xf32>
    %mul3A = arith.constant 7.62939453E-6 : f32
    %mul3A_5 = vector.broadcast %mul3A : f32 to vector<1x8xf32>
    %mul3A_6 = arith.mulf %get3A_4, %mul3A_5 : vector<1x8xf32>
    %get3A_7 = arith.constant 1 : index
    %get3A_8 = arith.constant 0 : index
    %get3A_9 = vector.load %arg2[%get3A_7, %get3A_8] : memref<8x8xf32, #tpu.memory_space<vmem>>, vector<1x8xf32>
    %mul3A_10 = arith.constant 7.62939453E-6 : f32
    %mul3A_11 = vector.broadcast %mul3A_10 : f32 to vector<1x8xf32>
    %mul3A_12 = arith.mulf %get3A_9, %mul3A_11 : vector<1x8xf32>
    %mul3A_13 = arith.mulf %mul3A_6, %mul3A_6 : vector<1x8xf32>
    %sub3A = arith.subf %mul3A_12, %mul3A_13 : vector<1x8xf32>
    %get3A_14 = arith.constant 0 : index
    %get3A_15 = arith.constant 0 : index
    %get3A_16 = vector.load %arg3[%get3A_14, %get3A_15] : memref<1x8xf32, #tpu.memory_space<vmem>>, vector<1x8xf32>
    %add3A = arith.constant 9.99999974E-6 : f32
    %add3A_17 = vector.broadcast %add3A : f32 to vector<1x8xf32>
    %add3A_18 = arith.addf %sub3A, %add3A_17 : vector<1x8xf32>
    %sqrt3A = math.sqrt %add3A_18 : vector<1x8xf32>
    %div3A = arith.divf %get3A_16, %sqrt3A : vector<1x8xf32>
    %get3A_19 = arith.constant 0 : index
    %get3A_20 = arith.constant 0 : index
    %get3A_21 = vector.load %arg4[%get3A_19, %get3A_20] : memref<1x8xf32, #tpu.memory_space<vmem>>, vector<1x8xf32>
    %mul3A_22 = arith.mulf %mul3A_6, %div3A : vector<1x8xf32>
    %sub3A_23 = arith.subf %get3A_21, %mul3A_22 : vector<1x8xf32>
    %mul3A_24 = vector.broadcast %div3A : vector<1x8xf32> to vector<2048x8xf32>
    %mul3A_25 = arith.mulf %get3A_1, %mul3A_24 : vector<2048x8xf32>
    %add3A_26 = vector.broadcast %sub3A_23 : vector<1x8xf32> to vector<2048x8xf32>
    %add3A_27 = arith.addf %mul3A_25, %add3A_26 : vector<2048x8xf32>
    %max3A = arith.constant 0.000000e+00 : f32
    %max3A_28 = vector.broadcast %max3A : f32 to vector<2048x8xf32>
    %max3A_29 = arith.maximumf %add3A_27, %max3A_28 : vector<2048x8xf32>
    %get3A_30 = arith.constant 0 : index
    %get3A_31 = arith.constant 0 : index
    %get3A_32 = vector.load %arg5[%get3A_30, %get3A_31] : memref<8x1xf32, #tpu.memory_space<vmem>>, vector<8x1xf32>
    %dot_general3A = arith.constant dense<0.000000e+00> : vector<2048x1xf32>
    %dot_general3A_33 = tpu.matmul %max3A_29, %get3A_32, %dot_general3A {dimension_numbers = #tpu.dot_dimension_numbers<[1], [0], [0], [1], [0, 0, 1, 1], [], []>, transpose_lhs_hint = false} : vector<2048x8xf32>, vector<8x1xf32>, vector<2048x1xf32> -> vector<2048x1xf32>
    %swap3A = arith.constant 0 : index
    %swap3A_34 = arith.constant 0 : index
    %swap3A_35 = vector.load %arg6[%swap3A, %swap3A_34] : memref<2048x1xf32, #tpu.memory_space<vmem>>, vector<2048x1xf32>
    tpu.vector_store %arg6[%swap3A, %swap3A_34], %dot_general3A_33 {strides = array<i32>} : memref<2048x1xf32, #tpu.memory_space<vmem>>, vector<2048x1xf32>,
    %eq3A = arith.constant 0 : i32
    %eq3A_36 = arith.cmpi eq, %arg0, %eq3A : i32
    %convert_element_type3A = arith.extui %eq3A_36 : i1 to i32
    %cond3A = arith.constant 0 : i32
    %cond3A_37 = arith.cmpi ne, %convert_element_type3A, %cond3A : i32
    scf.if %cond3A_37 {
      %broadcast_in_dim3A_58 = arith.constant 0.000000e+00 : f32
      %broadcast_in_dim3A_59 = vector.broadcast %broadcast_in_dim3A_58 : f32 to vector<8x1xf32>
      %swap3A_60 = arith.constant 0 : index
      %swap3A_61 = arith.constant 0 : index
      %swap3A_62 = vector.load %arg7[%swap3A_60, %swap3A_61] : memref<8x1xf32, #tpu.memory_space<vmem>>, vector<8x1xf32>
      tpu.vector_store %arg7[%swap3A_60, %swap3A_61], %broadcast_in_dim3A_59 {strides = array<i32>} : memref<8x1xf32, #tpu.memory_space<vmem>>, vector<8x1xf32>,
    } else {
    }
    %broadcast_in_dim3A = arith.constant 1.000000e+00 : f32
    %broadcast_in_dim3A_38 = vector.broadcast %broadcast_in_dim3A : f32 to vector<1x2048xf32>
    %get3A_39 = arith.constant 0 : index
    %get3A_40 = arith.constant 0 : index
    %get3A_41 = vector.load %arg7[%get3A_39, %get3A_40] : memref<8x1xf32, #tpu.memory_space<vmem>>, vector<1x1xf32>
    %dot_general3A_42 = arith.constant dense<0.000000e+00> : vector<1x1xf32>
    %dot_general3A_43 = tpu.matmul %broadcast_in_dim3A_38, %dot_general3A_33, %dot_general3A_42 {dimension_numbers = #tpu.dot_dimension_numbers<[1], [0], [0], [1], [0, 0, 1, 1], [], []>, precision = #tpu.contract_precision<fp32>, transpose_lhs_hint = false} : vector<1x2048xf32>, vector<2048x1xf32>, vector<1x1xf32> -> vector<1x1xf32>
    %add3A_44 = arith.addf %get3A_41, %dot_general3A_43 : vector<1x1xf32>
    %swap3A_45 = arith.constant 0 : index
    %swap3A_46 = arith.constant 0 : index
    %swap3A_47 = vector.load %arg7[%swap3A_45, %swap3A_46] : memref<8x1xf32, #tpu.memory_space<vmem>>, vector<1x1xf32>
    tpu.vector_store %arg7[%swap3A_45, %swap3A_46], %add3A_44 {strides = array<i32>} : memref<8x1xf32, #tpu.memory_space<vmem>>, vector<1x1xf32>,
    %get3A_48 = arith.constant 1 : index
    %get3A_49 = arith.constant 0 : index
    %get3A_50 = vector.load %arg7[%get3A_48, %get3A_49] : memref<8x1xf32, #tpu.memory_space<vmem>>, vector<1x1xf32>
    %mul3A_51 = arith.mulf %dot_general3A_33, %dot_general3A_33 : vector<2048x1xf32>
    %dot_general3A_52 = arith.constant dense<0.000000e+00> : vector<1x1xf32>
    %dot_general3A_53 = tpu.matmul %broadcast_in_dim3A_38, %mul3A_51, %dot_general3A_52 {dimension_numbers = #tpu.dot_dimension_numbers<[1], [0], [0], [1], [0, 0, 1, 1], [], []>, precision = #tpu.contract_precision<fp32>, transpose_lhs_hint = false} : vector<1x2048xf32>, vector<2048x1xf32>, vector<1x1xf32> -> vector<1x1xf32>
    %add3A_54 = arith.addf %get3A_50, %dot_general3A_53 : vector<1x1xf32>
    %swap3A_55 = arith.constant 1 : index
    %swap3A_56 = arith.constant 0 : index
    %swap3A_57 = vector.load %arg7[%swap3A_55, %swap3A_56] : memref<8x1xf32, #tpu.memory_space<vmem>>, vector<1x1xf32>
    tpu.vector_store %arg7[%swap3A_55, %swap3A_56], %add3A_54 {strides = array<i32>} : memref<8x1xf32, #tpu.memory_space<vmem>>, vector<1x1xf32>,
    return
  }
  func.func @transform_0(%arg0: i32) -> (i32, i32) {
    %c0_i32 = arith.constant 0 : i32
    %c0_i32_0 = arith.constant 0 : i32
    return %arg0, %c0_i32 : i32, i32
  }
  func.func @transform_1(%arg0: i32) -> (i32, i32) {
    %c0_i32 = arith.constant 0 : i32
    %c0_i32_0 = arith.constant 0 : i32
    %c0_i32_1 = arith.constant 0 : i32
    return %c0_i32, %c0_i32_0 : i32, i32
  }
  func.func @transform_2(%arg0: i32) -> (i32, i32) {
    %c0_i32 = arith.constant 0 : i32
    %c0_i32_0 = arith.constant 0 : i32
    %c0_i32_1 = arith.constant 0 : i32
    return %c0_i32, %c0_i32_0 : i32, i32
  }
  func.func @transform_3(%arg0: i32) -> (i32, i32) {
    %c0_i32 = arith.constant 0 : i32
    %c0_i32_0 = arith.constant 0 : i32
    %c0_i32_1 = arith.constant 0 : i32
    return %c0_i32, %c0_i32_0 : i32, i32
  }
  func.func @transform_4(%arg0: i32) -> (i32, i32) {
    %c0_i32 = arith.constant 0 : i32
    %c0_i32_0 = arith.constant 0 : i32
    %c0_i32_1 = arith.constant 0 : i32
    return %c0_i32, %c0_i32_0 : i32, i32
  }
  func.func @transform_5(%arg0: i32) -> (i32, i32) {
    %c0_i32 = arith.constant 0 : i32
    %c0_i32_0 = arith.constant 0 : i32
    return %arg0, %c0_i32 : i32, i32
  }
  func.func @transform_6(%arg0: i32) -> (i32, i32) {
    %c0_i32 = arith.constant 0 : i32
    %c0_i32_0 = arith.constant 0 : i32
    %c0_i32_1 = arith.constant 0 : i32
    return %c0_i32, %c0_i32_0 : i32, i32
  }
}

module attributes {stable_mosaic.version = 14 : i64} {
  func.func @_p5_body(%arg0: i32, %arg1: memref<4096x128xf32, #tpu.memory_space<vmem>>, %arg2: memref<8x128xf32, #tpu.memory_space<vmem>>, %arg3: memref<1x128xf32, #tpu.memory_space<vmem>>, %arg4: memref<1x128xf32, #tpu.memory_space<vmem>>, %arg5: memref<4096x1xf32, #tpu.memory_space<vmem>>, %arg6: memref<8x1xf32, #tpu.memory_space<vmem>>, %arg7: memref<1x1xf32, #tpu.memory_space<vmem>>, %arg8: memref<1x1xf32, #tpu.memory_space<vmem>>, %arg9: memref<4096x16xf32, #tpu.memory_space<vmem>>, %arg10: memref<8x16xf32, #tpu.memory_space<vmem>>, %arg11: memref<1x16xf32, #tpu.memory_space<vmem>>, %arg12: memref<1x16xf32, #tpu.memory_space<vmem>>, %arg13: memref<16x128x128xf32, #tpu.memory_space<vmem>>, %arg14: memref<1x128xf32, #tpu.memory_space<vmem>>, %arg15: memref<128x128xf32, #tpu.memory_space<vmem>>, %arg16: memref<8x128xf32, #tpu.memory_space<vmem>>) attributes {dimension_semantics = [#tpu.dimension_semantics<arbitrary>], iteration_bounds = array<i64: 32>, scalar_prefetch = 0 : i64, scratch_operands = 0 : i64, tpu.core_type = #tpu.core_type<tc>, window_params = [{transform_indices = @transform_0, window_bounds = array<i64: 4096, 128>}, {pipeline_mode = #tpu.pipeline_mode<synchronous>, transform_indices = @transform_1, window_bounds = array<i64: 8, 128>}, {pipeline_mode = #tpu.pipeline_mode<synchronous>, transform_indices = @transform_2, window_bounds = array<i64: 1, 128>}, {pipeline_mode = #tpu.pipeline_mode<synchronous>, transform_indices = @transform_3, window_bounds = array<i64: 1, 128>}, {transform_indices = @transform_4, window_bounds = array<i64: 4096, 1>}, {pipeline_mode = #tpu.pipeline_mode<synchronous>, transform_indices = @transform_5, window_bounds = array<i64: 8, 1>}, {pipeline_mode = #tpu.pipeline_mode<synchronous>, transform_indices = @transform_6, window_bounds = array<i64: 1, 1>}, {pipeline_mode = #tpu.pipeline_mode<synchronous>, transform_indices = @transform_7, window_bounds = array<i64: 1, 1>}, {transform_indices = @transform_8, window_bounds = array<i64: 4096, 16>}, {pipeline_mode = #tpu.pipeline_mode<synchronous>, transform_indices = @transform_9, window_bounds = array<i64: 8, 16>}, {pipeline_mode = #tpu.pipeline_mode<synchronous>, transform_indices = @transform_10, window_bounds = array<i64: 1, 16>}, {pipeline_mode = #tpu.pipeline_mode<synchronous>, transform_indices = @transform_11, window_bounds = array<i64: 1, 16>}, {pipeline_mode = #tpu.pipeline_mode<synchronous>, transform_indices = @transform_12, window_bounds = array<i64: 16, 128, 128>}, {pipeline_mode = #tpu.pipeline_mode<synchronous>, transform_indices = @transform_13, window_bounds = array<i64: 1, 128>}, {transform_indices = @transform_14, window_bounds = array<i64: 128, 128>}, {pipeline_mode = #tpu.pipeline_mode<synchronous>, transform_indices = @transform_15, window_bounds = array<i64: 8, 128>}]} {
    %get3A = arith.constant 0 : index
    %get3A_0 = arith.constant 0 : index
    %get3A_1 = vector.load %arg1[%get3A, %get3A_0] : memref<4096x128xf32, #tpu.memory_space<vmem>>, vector<4096x128xf32>
    %get3A_2 = arith.constant 0 : index
    %get3A_3 = arith.constant 0 : index
    %get3A_4 = vector.load %arg2[%get3A_2, %get3A_3] : memref<8x128xf32, #tpu.memory_space<vmem>>, vector<1x128xf32>
    %mul3A = arith.constant 7.62939453E-6 : f32
    %mul3A_5 = vector.broadcast %mul3A : f32 to vector<1x128xf32>
    %mul3A_6 = arith.mulf %get3A_4, %mul3A_5 : vector<1x128xf32>
    %get3A_7 = arith.constant 1 : index
    %get3A_8 = arith.constant 0 : index
    %get3A_9 = vector.load %arg2[%get3A_7, %get3A_8] : memref<8x128xf32, #tpu.memory_space<vmem>>, vector<1x128xf32>
    %mul3A_10 = arith.constant 7.62939453E-6 : f32
    %mul3A_11 = vector.broadcast %mul3A_10 : f32 to vector<1x128xf32>
    %mul3A_12 = arith.mulf %get3A_9, %mul3A_11 : vector<1x128xf32>
    %mul3A_13 = arith.mulf %mul3A_6, %mul3A_6 : vector<1x128xf32>
    %sub3A = arith.subf %mul3A_12, %mul3A_13 : vector<1x128xf32>
    %get3A_14 = arith.constant 0 : index
    %get3A_15 = arith.constant 0 : index
    %get3A_16 = vector.load %arg3[%get3A_14, %get3A_15] : memref<1x128xf32, #tpu.memory_space<vmem>>, vector<1x128xf32>
    %add3A = arith.constant 9.99999974E-6 : f32
    %add3A_17 = vector.broadcast %add3A : f32 to vector<1x128xf32>
    %add3A_18 = arith.addf %sub3A, %add3A_17 : vector<1x128xf32>
    %sqrt3A = math.sqrt %add3A_18 : vector<1x128xf32>
    %div3A = arith.divf %get3A_16, %sqrt3A : vector<1x128xf32>
    %get3A_19 = arith.constant 0 : index
    %get3A_20 = arith.constant 0 : index
    %get3A_21 = vector.load %arg4[%get3A_19, %get3A_20] : memref<1x128xf32, #tpu.memory_space<vmem>>, vector<1x128xf32>
    %mul3A_22 = arith.mulf %mul3A_6, %div3A : vector<1x128xf32>
    %sub3A_23 = arith.subf %get3A_21, %mul3A_22 : vector<1x128xf32>
    %mul3A_24 = vector.broadcast %div3A : vector<1x128xf32> to vector<4096x128xf32>
    %mul3A_25 = arith.mulf %get3A_1, %mul3A_24 : vector<4096x128xf32>
    %add3A_26 = vector.broadcast %sub3A_23 : vector<1x128xf32> to vector<4096x128xf32>
    %add3A_27 = arith.addf %mul3A_25, %add3A_26 : vector<4096x128xf32>
    %max3A = arith.constant 0.000000e+00 : f32
    %max3A_28 = vector.broadcast %max3A : f32 to vector<4096x128xf32>
    %max3A_29 = arith.maximumf %add3A_27, %max3A_28 : vector<4096x128xf32>
    %get3A_30 = arith.constant 0 : index
    %get3A_31 = arith.constant 0 : index
    %get3A_32 = vector.load %arg5[%get3A_30, %get3A_31] : memref<4096x1xf32, #tpu.memory_space<vmem>>, vector<4096x1xf32>
    %get3A_33 = arith.constant 0 : index
    %get3A_34 = arith.constant 0 : index
    %get3A_35 = vector.load %arg6[%get3A_33, %get3A_34] : memref<8x1xf32, #tpu.memory_space<vmem>>, vector<1x1xf32>
    %mul3A_36 = arith.constant 7.62939453E-6 : f32
    %mul3A_37 = vector.broadcast %mul3A_36 : f32 to vector<1x1xf32>
    %mul3A_38 = arith.mulf %get3A_35, %mul3A_37 : vector<1x1xf32>
    %get3A_39 = arith.constant 1 : index
    %get3A_40 = arith.constant 0 : index
    %get3A_41 = vector.load %arg6[%get3A_39, %get3A_40] : memref<8x1xf32, #tpu.memory_space<vmem>>, vector<1x1xf32>
    %mul3A_42 = arith.constant 7.62939453E-6 : f32
    %mul3A_43 = vector.broadcast %mul3A_42 : f32 to vector<1x1xf32>
    %mul3A_44 = arith.mulf %get3A_41, %mul3A_43 : vector<1x1xf32>
    %mul3A_45 = arith.mulf %mul3A_38, %mul3A_38 : vector<1x1xf32>
    %sub3A_46 = arith.subf %mul3A_44, %mul3A_45 : vector<1x1xf32>
    %get3A_47 = arith.constant 0 : index
    %get3A_48 = arith.constant 0 : index
    %get3A_49 = vector.load %arg7[%get3A_47, %get3A_48] : memref<1x1xf32, #tpu.memory_space<vmem>>, vector<1x1xf32>
    %add3A_50 = arith.constant 9.99999974E-6 : f32
    %add3A_51 = vector.broadcast %add3A_50 : f32 to vector<1x1xf32>
    %add3A_52 = arith.addf %sub3A_46, %add3A_51 : vector<1x1xf32>
    %sqrt3A_53 = math.sqrt %add3A_52 : vector<1x1xf32>
    %div3A_54 = arith.divf %get3A_49, %sqrt3A_53 : vector<1x1xf32>
    %get3A_55 = arith.constant 0 : index
    %get3A_56 = arith.constant 0 : index
    %get3A_57 = vector.load %arg8[%get3A_55, %get3A_56] : memref<1x1xf32, #tpu.memory_space<vmem>>, vector<1x1xf32>
    %mul3A_58 = arith.mulf %mul3A_38, %div3A_54 : vector<1x1xf32>
    %sub3A_59 = arith.subf %get3A_57, %mul3A_58 : vector<1x1xf32>
    %mul3A_60 = vector.broadcast %div3A_54 : vector<1x1xf32> to vector<4096x1xf32>
    %mul3A_61 = arith.mulf %get3A_32, %mul3A_60 : vector<4096x1xf32>
    %add3A_62 = vector.broadcast %sub3A_59 : vector<1x1xf32> to vector<4096x1xf32>
    %add3A_63 = arith.addf %mul3A_61, %add3A_62 : vector<4096x1xf32>
    %max3A_64 = arith.constant 0.000000e+00 : f32
    %max3A_65 = vector.broadcast %max3A_64 : f32 to vector<4096x1xf32>
    %max3A_66 = arith.maximumf %add3A_63, %max3A_65 : vector<4096x1xf32>
    %get3A_67 = arith.constant 0 : index
    %get3A_68 = arith.constant 0 : index
    %get3A_69 = vector.load %arg9[%get3A_67, %get3A_68] : memref<4096x16xf32, #tpu.memory_space<vmem>>, vector<4096x16xf32>
    %get3A_70 = arith.constant 0 : index
    %get3A_71 = arith.constant 0 : index
    %get3A_72 = vector.load %arg10[%get3A_70, %get3A_71] : memref<8x16xf32, #tpu.memory_space<vmem>>, vector<1x16xf32>
    %mul3A_73 = arith.constant 7.62939453E-6 : f32
    %mul3A_74 = vector.broadcast %mul3A_73 : f32 to vector<1x16xf32>
    %mul3A_75 = arith.mulf %get3A_72, %mul3A_74 : vector<1x16xf32>
    %get3A_76 = arith.constant 1 : index
    %get3A_77 = arith.constant 0 : index
    %get3A_78 = vector.load %arg10[%get3A_76, %get3A_77] : memref<8x16xf32, #tpu.memory_space<vmem>>, vector<1x16xf32>
    %mul3A_79 = arith.constant 7.62939453E-6 : f32
    %mul3A_80 = vector.broadcast %mul3A_79 : f32 to vector<1x16xf32>
    %mul3A_81 = arith.mulf %get3A_78, %mul3A_80 : vector<1x16xf32>
    %mul3A_82 = arith.mulf %mul3A_75, %mul3A_75 : vector<1x16xf32>
    %sub3A_83 = arith.subf %mul3A_81, %mul3A_82 : vector<1x16xf32>
    %get3A_84 = arith.constant 0 : index
    %get3A_85 = arith.constant 0 : index
    %get3A_86 = vector.load %arg11[%get3A_84, %get3A_85] : memref<1x16xf32, #tpu.memory_space<vmem>>, vector<1x16xf32>
    %add3A_87 = arith.constant 9.99999974E-6 : f32
    %add3A_88 = vector.broadcast %add3A_87 : f32 to vector<1x16xf32>
    %add3A_89 = arith.addf %sub3A_83, %add3A_88 : vector<1x16xf32>
    %sqrt3A_90 = math.sqrt %add3A_89 : vector<1x16xf32>
    %div3A_91 = arith.divf %get3A_86, %sqrt3A_90 : vector<1x16xf32>
    %get3A_92 = arith.constant 0 : index
    %get3A_93 = arith.constant 0 : index
    %get3A_94 = vector.load %arg12[%get3A_92, %get3A_93] : memref<1x16xf32, #tpu.memory_space<vmem>>, vector<1x16xf32>
    %mul3A_95 = arith.mulf %mul3A_75, %div3A_91 : vector<1x16xf32>
    %sub3A_96 = arith.subf %get3A_94, %mul3A_95 : vector<1x16xf32>
    %mul3A_97 = vector.broadcast %div3A_91 : vector<1x16xf32> to vector<4096x16xf32>
    %mul3A_98 = arith.mulf %get3A_69, %mul3A_97 : vector<4096x16xf32>
    %add3A_99 = vector.broadcast %sub3A_96 : vector<1x16xf32> to vector<4096x16xf32>
    %add3A_100 = arith.addf %mul3A_98, %add3A_99 : vector<4096x16xf32>
    %max3A_101 = arith.constant 0.000000e+00 : f32
    %max3A_102 = vector.broadcast %max3A_101 : f32 to vector<4096x16xf32>
    %max3A_103 = arith.maximumf %add3A_100, %max3A_102 : vector<4096x16xf32>
    %mul3A_104 = vector.broadcast %max3A_66 : vector<4096x1xf32> to vector<4096x128xf32>
    %mul3A_105 = arith.mulf %max3A_29, %mul3A_104 : vector<4096x128xf32>
    %reshape3A = vector.shape_cast %mul3A_105 : vector<4096x128xf32> to vector<128x32x128xf32>
    %reshape3A_106 = vector.shape_cast %max3A_103 : vector<4096x16xf32> to vector<128x32x16xf32>
    %dot_general3A = arith.constant dense<0.000000e+00> : vector<128x16x128xf32>
    %dot_general3A_107 = tpu.matmul %reshape3A_106, %reshape3A, %dot_general3A {dimension_numbers = #tpu.dot_dimension_numbers<[1], [1], [2], [2], [0, 0, 0, 2, 1, 2], [0], [0]>, transpose_lhs_hint = false} : vector<128x32x16xf32>, vector<128x32x128xf32>, vector<128x16x128xf32> -> vector<128x16x128xf32>
    %broadcast_in_dim3A = arith.constant 0.000000e+00 : f32
    %broadcast_in_dim3A_108 = vector.broadcast %broadcast_in_dim3A : f32 to vector<128x128xf32>
    %get3A_109 = arith.constant 0 : index
    %get3A_110 = arith.constant 0 : index
    %get3A_111 = vector.load %arg14[%get3A_109, %get3A_110] : memref<1x128xf32, #tpu.memory_space<vmem>>, vector<1x128xf32>
    %add3A_112 = vector.broadcast %get3A_111 : vector<1x128xf32> to vector<128x128xf32>
    %add3A_113 = arith.addf %broadcast_in_dim3A_108, %add3A_112 : vector<128x128xf32>
    %slice3A = vector.extract_strided_slice %dot_general3A_107 {offsets = [0, 0, 0], sizes = [128, 1, 128], strides = [1, 1, 1]} : vector<128x16x128xf32> to vector<128x1x128xf32>
    %squeeze3A = vector.shape_cast %slice3A : vector<128x1x128xf32> to vector<128x128xf32>
    %get3A_114 = arith.constant 0 : index
    %get3A_115 = arith.constant 0 : index
    %get3A_116 = arith.constant 0 : index
    %get3A_117 = vector.load %arg13[%get3A_114, %get3A_115, %get3A_116] : memref<16x128x128xf32, #tpu.memory_space<vmem>>, vector<1x128x128xf32>
    %get3A_118 = vector.shape_cast %get3A_117 : vector<1x128x128xf32> to vector<128x128xf32>
    %dot_general3A_119 = arith.constant dense<0.000000e+00> : vector<128x128xf32>
    %dot_general3A_120 = tpu.matmul %squeeze3A, %get3A_118, %dot_general3A_119 {dimension_numbers = #tpu.dot_dimension_numbers<[1], [0], [0], [1], [0, 0, 1, 1], [], []>, transpose_lhs_hint = false} : vector<128x128xf32>, vector<128x128xf32>, vector<128x128xf32> -> vector<128x128xf32>
    %add3A_121 = arith.addf %add3A_113, %dot_general3A_120 : vector<128x128xf32>
    %slice3A_122 = vector.extract_strided_slice %dot_general3A_107 {offsets = [0, 1, 0], sizes = [128, 1, 128], strides = [1, 1, 1]} : vector<128x16x128xf32> to vector<128x1x128xf32>
    %squeeze3A_123 = vector.shape_cast %slice3A_122 : vector<128x1x128xf32> to vector<128x128xf32>
    %get3A_124 = arith.constant 1 : index
    %get3A_125 = arith.constant 0 : index
    %get3A_126 = arith.constant 0 : index
    %get3A_127 = vector.load %arg13[%get3A_124, %get3A_125, %get3A_126] : memref<16x128x128xf32, #tpu.memory_space<vmem>>, vector<1x128x128xf32>
    %get3A_128 = vector.shape_cast %get3A_127 : vector<1x128x128xf32> to vector<128x128xf32>
    %dot_general3A_129 = arith.constant dense<0.000000e+00> : vector<128x128xf32>
    %dot_general3A_130 = tpu.matmul %squeeze3A_123, %get3A_128, %dot_general3A_129 {dimension_numbers = #tpu.dot_dimension_numbers<[1], [0], [0], [1], [0, 0, 1, 1], [], []>, transpose_lhs_hint = false} : vector<128x128xf32>, vector<128x128xf32>, vector<128x128xf32> -> vector<128x128xf32>
    %add3A_131 = arith.addf %add3A_121, %dot_general3A_130 : vector<128x128xf32>
    %slice3A_132 = vector.extract_strided_slice %dot_general3A_107 {offsets = [0, 2, 0], sizes = [128, 1, 128], strides = [1, 1, 1]} : vector<128x16x128xf32> to vector<128x1x128xf32>
    %squeeze3A_133 = vector.shape_cast %slice3A_132 : vector<128x1x128xf32> to vector<128x128xf32>
    %get3A_134 = arith.constant 2 : index
    %get3A_135 = arith.constant 0 : index
    %get3A_136 = arith.constant 0 : index
    %get3A_137 = vector.load %arg13[%get3A_134, %get3A_135, %get3A_136] : memref<16x128x128xf32, #tpu.memory_space<vmem>>, vector<1x128x128xf32>
    %get3A_138 = vector.shape_cast %get3A_137 : vector<1x128x128xf32> to vector<128x128xf32>
    %dot_general3A_139 = arith.constant dense<0.000000e+00> : vector<128x128xf32>
    %dot_general3A_140 = tpu.matmul %squeeze3A_133, %get3A_138, %dot_general3A_139 {dimension_numbers = #tpu.dot_dimension_numbers<[1], [0], [0], [1], [0, 0, 1, 1], [], []>, transpose_lhs_hint = false} : vector<128x128xf32>, vector<128x128xf32>, vector<128x128xf32> -> vector<128x128xf32>
    %add3A_141 = arith.addf %add3A_131, %dot_general3A_140 : vector<128x128xf32>
    %slice3A_142 = vector.extract_strided_slice %dot_general3A_107 {offsets = [0, 3, 0], sizes = [128, 1, 128], strides = [1, 1, 1]} : vector<128x16x128xf32> to vector<128x1x128xf32>
    %squeeze3A_143 = vector.shape_cast %slice3A_142 : vector<128x1x128xf32> to vector<128x128xf32>
    %get3A_144 = arith.constant 3 : index
    %get3A_145 = arith.constant 0 : index
    %get3A_146 = arith.constant 0 : index
    %get3A_147 = vector.load %arg13[%get3A_144, %get3A_145, %get3A_146] : memref<16x128x128xf32, #tpu.memory_space<vmem>>, vector<1x128x128xf32>
    %get3A_148 = vector.shape_cast %get3A_147 : vector<1x128x128xf32> to vector<128x128xf32>
    %dot_general3A_149 = arith.constant dense<0.000000e+00> : vector<128x128xf32>
    %dot_general3A_150 = tpu.matmul %squeeze3A_143, %get3A_148, %dot_general3A_149 {dimension_numbers = #tpu.dot_dimension_numbers<[1], [0], [0], [1], [0, 0, 1, 1], [], []>, transpose_lhs_hint = false} : vector<128x128xf32>, vector<128x128xf32>, vector<128x128xf32> -> vector<128x128xf32>
    %add3A_151 = arith.addf %add3A_141, %dot_general3A_150 : vector<128x128xf32>
    %slice3A_152 = vector.extract_strided_slice %dot_general3A_107 {offsets = [0, 4, 0], sizes = [128, 1, 128], strides = [1, 1, 1]} : vector<128x16x128xf32> to vector<128x1x128xf32>
    %squeeze3A_153 = vector.shape_cast %slice3A_152 : vector<128x1x128xf32> to vector<128x128xf32>
    %get3A_154 = arith.constant 4 : index
    %get3A_155 = arith.constant 0 : index
    %get3A_156 = arith.constant 0 : index
    %get3A_157 = vector.load %arg13[%get3A_154, %get3A_155, %get3A_156] : memref<16x128x128xf32, #tpu.memory_space<vmem>>, vector<1x128x128xf32>
    %get3A_158 = vector.shape_cast %get3A_157 : vector<1x128x128xf32> to vector<128x128xf32>
    %dot_general3A_159 = arith.constant dense<0.000000e+00> : vector<128x128xf32>
    %dot_general3A_160 = tpu.matmul %squeeze3A_153, %get3A_158, %dot_general3A_159 {dimension_numbers = #tpu.dot_dimension_numbers<[1], [0], [0], [1], [0, 0, 1, 1], [], []>, transpose_lhs_hint = false} : vector<128x128xf32>, vector<128x128xf32>, vector<128x128xf32> -> vector<128x128xf32>
    %add3A_161 = arith.addf %add3A_151, %dot_general3A_160 : vector<128x128xf32>
    %slice3A_162 = vector.extract_strided_slice %dot_general3A_107 {offsets = [0, 5, 0], sizes = [128, 1, 128], strides = [1, 1, 1]} : vector<128x16x128xf32> to vector<128x1x128xf32>
    %squeeze3A_163 = vector.shape_cast %slice3A_162 : vector<128x1x128xf32> to vector<128x128xf32>
    %get3A_164 = arith.constant 5 : index
    %get3A_165 = arith.constant 0 : index
    %get3A_166 = arith.constant 0 : index
    %get3A_167 = vector.load %arg13[%get3A_164, %get3A_165, %get3A_166] : memref<16x128x128xf32, #tpu.memory_space<vmem>>, vector<1x128x128xf32>
    %get3A_168 = vector.shape_cast %get3A_167 : vector<1x128x128xf32> to vector<128x128xf32>
    %dot_general3A_169 = arith.constant dense<0.000000e+00> : vector<128x128xf32>
    %dot_general3A_170 = tpu.matmul %squeeze3A_163, %get3A_168, %dot_general3A_169 {dimension_numbers = #tpu.dot_dimension_numbers<[1], [0], [0], [1], [0, 0, 1, 1], [], []>, transpose_lhs_hint = false} : vector<128x128xf32>, vector<128x128xf32>, vector<128x128xf32> -> vector<128x128xf32>
    %add3A_171 = arith.addf %add3A_161, %dot_general3A_170 : vector<128x128xf32>
    %slice3A_172 = vector.extract_strided_slice %dot_general3A_107 {offsets = [0, 6, 0], sizes = [128, 1, 128], strides = [1, 1, 1]} : vector<128x16x128xf32> to vector<128x1x128xf32>
    %squeeze3A_173 = vector.shape_cast %slice3A_172 : vector<128x1x128xf32> to vector<128x128xf32>
    %get3A_174 = arith.constant 6 : index
    %get3A_175 = arith.constant 0 : index
    %get3A_176 = arith.constant 0 : index
    %get3A_177 = vector.load %arg13[%get3A_174, %get3A_175, %get3A_176] : memref<16x128x128xf32, #tpu.memory_space<vmem>>, vector<1x128x128xf32>
    %get3A_178 = vector.shape_cast %get3A_177 : vector<1x128x128xf32> to vector<128x128xf32>
    %dot_general3A_179 = arith.constant dense<0.000000e+00> : vector<128x128xf32>
    %dot_general3A_180 = tpu.matmul %squeeze3A_173, %get3A_178, %dot_general3A_179 {dimension_numbers = #tpu.dot_dimension_numbers<[1], [0], [0], [1], [0, 0, 1, 1], [], []>, transpose_lhs_hint = false} : vector<128x128xf32>, vector<128x128xf32>, vector<128x128xf32> -> vector<128x128xf32>
    %add3A_181 = arith.addf %add3A_171, %dot_general3A_180 : vector<128x128xf32>
    %slice3A_182 = vector.extract_strided_slice %dot_general3A_107 {offsets = [0, 7, 0], sizes = [128, 1, 128], strides = [1, 1, 1]} : vector<128x16x128xf32> to vector<128x1x128xf32>
    %squeeze3A_183 = vector.shape_cast %slice3A_182 : vector<128x1x128xf32> to vector<128x128xf32>
    %get3A_184 = arith.constant 7 : index
    %get3A_185 = arith.constant 0 : index
    %get3A_186 = arith.constant 0 : index
    %get3A_187 = vector.load %arg13[%get3A_184, %get3A_185, %get3A_186] : memref<16x128x128xf32, #tpu.memory_space<vmem>>, vector<1x128x128xf32>
    %get3A_188 = vector.shape_cast %get3A_187 : vector<1x128x128xf32> to vector<128x128xf32>
    %dot_general3A_189 = arith.constant dense<0.000000e+00> : vector<128x128xf32>
    %dot_general3A_190 = tpu.matmul %squeeze3A_183, %get3A_188, %dot_general3A_189 {dimension_numbers = #tpu.dot_dimension_numbers<[1], [0], [0], [1], [0, 0, 1, 1], [], []>, transpose_lhs_hint = false} : vector<128x128xf32>, vector<128x128xf32>, vector<128x128xf32> -> vector<128x128xf32>
    %add3A_191 = arith.addf %add3A_181, %dot_general3A_190 : vector<128x128xf32>
    %slice3A_192 = vector.extract_strided_slice %dot_general3A_107 {offsets = [0, 8, 0], sizes = [128, 1, 128], strides = [1, 1, 1]} : vector<128x16x128xf32> to vector<128x1x128xf32>
    %squeeze3A_193 = vector.shape_cast %slice3A_192 : vector<128x1x128xf32> to vector<128x128xf32>
    %get3A_194 = arith.constant 8 : index
    %get3A_195 = arith.constant 0 : index
    %get3A_196 = arith.constant 0 : index
    %get3A_197 = vector.load %arg13[%get3A_194, %get3A_195, %get3A_196] : memref<16x128x128xf32, #tpu.memory_space<vmem>>, vector<1x128x128xf32>
    %get3A_198 = vector.shape_cast %get3A_197 : vector<1x128x128xf32> to vector<128x128xf32>
    %dot_general3A_199 = arith.constant dense<0.000000e+00> : vector<128x128xf32>
    %dot_general3A_200 = tpu.matmul %squeeze3A_193, %get3A_198, %dot_general3A_199 {dimension_numbers = #tpu.dot_dimension_numbers<[1], [0], [0], [1], [0, 0, 1, 1], [], []>, transpose_lhs_hint = false} : vector<128x128xf32>, vector<128x128xf32>, vector<128x128xf32> -> vector<128x128xf32>
    %add3A_201 = arith.addf %add3A_191, %dot_general3A_200 : vector<128x128xf32>
    %slice3A_202 = vector.extract_strided_slice %dot_general3A_107 {offsets = [0, 9, 0], sizes = [128, 1, 128], strides = [1, 1, 1]} : vector<128x16x128xf32> to vector<128x1x128xf32>
    %squeeze3A_203 = vector.shape_cast %slice3A_202 : vector<128x1x128xf32> to vector<128x128xf32>
    %get3A_204 = arith.constant 9 : index
    %get3A_205 = arith.constant 0 : index
    %get3A_206 = arith.constant 0 : index
    %get3A_207 = vector.load %arg13[%get3A_204, %get3A_205, %get3A_206] : memref<16x128x128xf32, #tpu.memory_space<vmem>>, vector<1x128x128xf32>
    %get3A_208 = vector.shape_cast %get3A_207 : vector<1x128x128xf32> to vector<128x128xf32>
    %dot_general3A_209 = arith.constant dense<0.000000e+00> : vector<128x128xf32>
    %dot_general3A_210 = tpu.matmul %squeeze3A_203, %get3A_208, %dot_general3A_209 {dimension_numbers = #tpu.dot_dimension_numbers<[1], [0], [0], [1], [0, 0, 1, 1], [], []>, transpose_lhs_hint = false} : vector<128x128xf32>, vector<128x128xf32>, vector<128x128xf32> -> vector<128x128xf32>
    %add3A_211 = arith.addf %add3A_201, %dot_general3A_210 : vector<128x128xf32>
    %slice3A_212 = vector.extract_strided_slice %dot_general3A_107 {offsets = [0, 10, 0], sizes = [128, 1, 128], strides = [1, 1, 1]} : vector<128x16x128xf32> to vector<128x1x128xf32>
    %squeeze3A_213 = vector.shape_cast %slice3A_212 : vector<128x1x128xf32> to vector<128x128xf32>
    %get3A_214 = arith.constant 10 : index
    %get3A_215 = arith.constant 0 : index
    %get3A_216 = arith.constant 0 : index
    %get3A_217 = vector.load %arg13[%get3A_214, %get3A_215, %get3A_216] : memref<16x128x128xf32, #tpu.memory_space<vmem>>, vector<1x128x128xf32>
    %get3A_218 = vector.shape_cast %get3A_217 : vector<1x128x128xf32> to vector<128x128xf32>
    %dot_general3A_219 = arith.constant dense<0.000000e+00> : vector<128x128xf32>
    %dot_general3A_220 = tpu.matmul %squeeze3A_213, %get3A_218, %dot_general3A_219 {dimension_numbers = #tpu.dot_dimension_numbers<[1], [0], [0], [1], [0, 0, 1, 1], [], []>, transpose_lhs_hint = false} : vector<128x128xf32>, vector<128x128xf32>, vector<128x128xf32> -> vector<128x128xf32>
    %add3A_221 = arith.addf %add3A_211, %dot_general3A_220 : vector<128x128xf32>
    %slice3A_222 = vector.extract_strided_slice %dot_general3A_107 {offsets = [0, 11, 0], sizes = [128, 1, 128], strides = [1, 1, 1]} : vector<128x16x128xf32> to vector<128x1x128xf32>
    %squeeze3A_223 = vector.shape_cast %slice3A_222 : vector<128x1x128xf32> to vector<128x128xf32>
    %get3A_224 = arith.constant 11 : index
    %get3A_225 = arith.constant 0 : index
    %get3A_226 = arith.constant 0 : index
    %get3A_227 = vector.load %arg13[%get3A_224, %get3A_225, %get3A_226] : memref<16x128x128xf32, #tpu.memory_space<vmem>>, vector<1x128x128xf32>
    %get3A_228 = vector.shape_cast %get3A_227 : vector<1x128x128xf32> to vector<128x128xf32>
    %dot_general3A_229 = arith.constant dense<0.000000e+00> : vector<128x128xf32>
    %dot_general3A_230 = tpu.matmul %squeeze3A_223, %get3A_228, %dot_general3A_229 {dimension_numbers = #tpu.dot_dimension_numbers<[1], [0], [0], [1], [0, 0, 1, 1], [], []>, transpose_lhs_hint = false} : vector<128x128xf32>, vector<128x128xf32>, vector<128x128xf32> -> vector<128x128xf32>
    %add3A_231 = arith.addf %add3A_221, %dot_general3A_230 : vector<128x128xf32>
    %slice3A_232 = vector.extract_strided_slice %dot_general3A_107 {offsets = [0, 12, 0], sizes = [128, 1, 128], strides = [1, 1, 1]} : vector<128x16x128xf32> to vector<128x1x128xf32>
    %squeeze3A_233 = vector.shape_cast %slice3A_232 : vector<128x1x128xf32> to vector<128x128xf32>
    %get3A_234 = arith.constant 12 : index
    %get3A_235 = arith.constant 0 : index
    %get3A_236 = arith.constant 0 : index
    %get3A_237 = vector.load %arg13[%get3A_234, %get3A_235, %get3A_236] : memref<16x128x128xf32, #tpu.memory_space<vmem>>, vector<1x128x128xf32>
    %get3A_238 = vector.shape_cast %get3A_237 : vector<1x128x128xf32> to vector<128x128xf32>
    %dot_general3A_239 = arith.constant dense<0.000000e+00> : vector<128x128xf32>
    %dot_general3A_240 = tpu.matmul %squeeze3A_233, %get3A_238, %dot_general3A_239 {dimension_numbers = #tpu.dot_dimension_numbers<[1], [0], [0], [1], [0, 0, 1, 1], [], []>, transpose_lhs_hint = false} : vector<128x128xf32>, vector<128x128xf32>, vector<128x128xf32> -> vector<128x128xf32>
    %add3A_241 = arith.addf %add3A_231, %dot_general3A_240 : vector<128x128xf32>
    %slice3A_242 = vector.extract_strided_slice %dot_general3A_107 {offsets = [0, 13, 0], sizes = [128, 1, 128], strides = [1, 1, 1]} : vector<128x16x128xf32> to vector<128x1x128xf32>
    %squeeze3A_243 = vector.shape_cast %slice3A_242 : vector<128x1x128xf32> to vector<128x128xf32>
    %get3A_244 = arith.constant 13 : index
    %get3A_245 = arith.constant 0 : index
    %get3A_246 = arith.constant 0 : index
    %get3A_247 = vector.load %arg13[%get3A_244, %get3A_245, %get3A_246] : memref<16x128x128xf32, #tpu.memory_space<vmem>>, vector<1x128x128xf32>
    %get3A_248 = vector.shape_cast %get3A_247 : vector<1x128x128xf32> to vector<128x128xf32>
    %dot_general3A_249 = arith.constant dense<0.000000e+00> : vector<128x128xf32>
    %dot_general3A_250 = tpu.matmul %squeeze3A_243, %get3A_248, %dot_general3A_249 {dimension_numbers = #tpu.dot_dimension_numbers<[1], [0], [0], [1], [0, 0, 1, 1], [], []>, transpose_lhs_hint = false} : vector<128x128xf32>, vector<128x128xf32>, vector<128x128xf32> -> vector<128x128xf32>
    %add3A_251 = arith.addf %add3A_241, %dot_general3A_250 : vector<128x128xf32>
    %slice3A_252 = vector.extract_strided_slice %dot_general3A_107 {offsets = [0, 14, 0], sizes = [128, 1, 128], strides = [1, 1, 1]} : vector<128x16x128xf32> to vector<128x1x128xf32>
    %squeeze3A_253 = vector.shape_cast %slice3A_252 : vector<128x1x128xf32> to vector<128x128xf32>
    %get3A_254 = arith.constant 14 : index
    %get3A_255 = arith.constant 0 : index
    %get3A_256 = arith.constant 0 : index
    %get3A_257 = vector.load %arg13[%get3A_254, %get3A_255, %get3A_256] : memref<16x128x128xf32, #tpu.memory_space<vmem>>, vector<1x128x128xf32>
    %get3A_258 = vector.shape_cast %get3A_257 : vector<1x128x128xf32> to vector<128x128xf32>
    %dot_general3A_259 = arith.constant dense<0.000000e+00> : vector<128x128xf32>
    %dot_general3A_260 = tpu.matmul %squeeze3A_253, %get3A_258, %dot_general3A_259 {dimension_numbers = #tpu.dot_dimension_numbers<[1], [0], [0], [1], [0, 0, 1, 1], [], []>, transpose_lhs_hint = false} : vector<128x128xf32>, vector<128x128xf32>, vector<128x128xf32> -> vector<128x128xf32>
    %add3A_261 = arith.addf %add3A_251, %dot_general3A_260 : vector<128x128xf32>
    %slice3A_262 = vector.extract_strided_slice %dot_general3A_107 {offsets = [0, 15, 0], sizes = [128, 1, 128], strides = [1, 1, 1]} : vector<128x16x128xf32> to vector<128x1x128xf32>
    %squeeze3A_263 = vector.shape_cast %slice3A_262 : vector<128x1x128xf32> to vector<128x128xf32>
    %get3A_264 = arith.constant 15 : index
    %get3A_265 = arith.constant 0 : index
    %get3A_266 = arith.constant 0 : index
    %get3A_267 = vector.load %arg13[%get3A_264, %get3A_265, %get3A_266] : memref<16x128x128xf32, #tpu.memory_space<vmem>>, vector<1x128x128xf32>
    %get3A_268 = vector.shape_cast %get3A_267 : vector<1x128x128xf32> to vector<128x128xf32>
    %dot_general3A_269 = arith.constant dense<0.000000e+00> : vector<128x128xf32>
    %dot_general3A_270 = tpu.matmul %squeeze3A_263, %get3A_268, %dot_general3A_269 {dimension_numbers = #tpu.dot_dimension_numbers<[1], [0], [0], [1], [0, 0, 1, 1], [], []>, transpose_lhs_hint = false} : vector<128x128xf32>, vector<128x128xf32>, vector<128x128xf32> -> vector<128x128xf32>
    %add3A_271 = arith.addf %add3A_261, %dot_general3A_270 : vector<128x128xf32>
    %swap3A = arith.constant 0 : index
    %swap3A_272 = arith.constant 0 : index
    %swap3A_273 = vector.load %arg15[%swap3A, %swap3A_272] : memref<128x128xf32, #tpu.memory_space<vmem>>, vector<128x128xf32>
    tpu.vector_store %arg15[%swap3A, %swap3A_272], %add3A_271 {strides = array<i32>} : memref<128x128xf32, #tpu.memory_space<vmem>>, vector<128x128xf32>,
    %eq3A = arith.constant 0 : i32
    %eq3A_274 = arith.cmpi eq, %arg0, %eq3A : i32
    %convert_element_type3A = arith.extui %eq3A_274 : i1 to i32
    %cond3A = arith.constant 0 : i32
    %cond3A_275 = arith.cmpi ne, %convert_element_type3A, %cond3A : i32
    scf.if %cond3A_275 {
      %broadcast_in_dim3A_297 = arith.constant 0.000000e+00 : f32
      %broadcast_in_dim3A_298 = vector.broadcast %broadcast_in_dim3A_297 : f32 to vector<8x128xf32>
      %swap3A_299 = arith.constant 0 : index
      %swap3A_300 = arith.constant 0 : index
      %swap3A_301 = vector.load %arg16[%swap3A_299, %swap3A_300] : memref<8x128xf32, #tpu.memory_space<vmem>>, vector<8x128xf32>
      tpu.vector_store %arg16[%swap3A_299, %swap3A_300], %broadcast_in_dim3A_298 {strides = array<i32>} : memref<8x128xf32, #tpu.memory_space<vmem>>, vector<8x128xf32>,
    } else {
    }
    %broadcast_in_dim3A_276 = arith.constant 1.000000e+00 : f32
    %broadcast_in_dim3A_277 = vector.broadcast %broadcast_in_dim3A_276 : f32 to vector<1x128xf32>
    %get3A_278 = arith.constant 0 : index
    %get3A_279 = arith.constant 0 : index
    %get3A_280 = vector.load %arg16[%get3A_278, %get3A_279] : memref<8x128xf32, #tpu.memory_space<vmem>>, vector<1x128xf32>
    %dot_general3A_281 = arith.constant dense<0.000000e+00> : vector<1x128xf32>
    %dot_general3A_282 = tpu.matmul %broadcast_in_dim3A_277, %add3A_271, %dot_general3A_281 {dimension_numbers = #tpu.dot_dimension_numbers<[1], [0], [0], [1], [0, 0, 1, 1], [], []>, precision = #tpu.contract_precision<fp32>, transpose_lhs_hint = false} : vector<1x128xf32>, vector<128x128xf32>, vector<1x128xf32> -> vector<1x128xf32>
    %add3A_283 = arith.addf %get3A_280, %dot_general3A_282 : vector<1x128xf32>
    %swap3A_284 = arith.constant 0 : index
    %swap3A_285 = arith.constant 0 : index
    %swap3A_286 = vector.load %arg16[%swap3A_284, %swap3A_285] : memref<8x128xf32, #tpu.memory_space<vmem>>, vector<1x128xf32>
    tpu.vector_store %arg16[%swap3A_284, %swap3A_285], %add3A_283 {strides = array<i32>} : memref<8x128xf32, #tpu.memory_space<vmem>>, vector<1x128xf32>,
    %get3A_287 = arith.constant 1 : index
    %get3A_288 = arith.constant 0 : index
    %get3A_289 = vector.load %arg16[%get3A_287, %get3A_288] : memref<8x128xf32, #tpu.memory_space<vmem>>, vector<1x128xf32>
    %mul3A_290 = arith.mulf %add3A_271, %add3A_271 : vector<128x128xf32>
    %dot_general3A_291 = arith.constant dense<0.000000e+00> : vector<1x128xf32>
    %dot_general3A_292 = tpu.matmul %broadcast_in_dim3A_277, %mul3A_290, %dot_general3A_291 {dimension_numbers = #tpu.dot_dimension_numbers<[1], [0], [0], [1], [0, 0, 1, 1], [], []>, precision = #tpu.contract_precision<fp32>, transpose_lhs_hint = false} : vector<1x128xf32>, vector<128x128xf32>, vector<1x128xf32> -> vector<1x128xf32>
    %add3A_293 = arith.addf %get3A_289, %dot_general3A_292 : vector<1x128xf32>
    %swap3A_294 = arith.constant 1 : index
    %swap3A_295 = arith.constant 0 : index
    %swap3A_296 = vector.load %arg16[%swap3A_294, %swap3A_295] : memref<8x128xf32, #tpu.memory_space<vmem>>, vector<1x128xf32>
    tpu.vector_store %arg16[%swap3A_294, %swap3A_295], %add3A_293 {strides = array<i32>} : memref<8x128xf32, #tpu.memory_space<vmem>>, vector<1x128xf32>,
    return
  }
  func.func @transform_0(%arg0: i32) -> (i32, i32) {
    %c0_i32 = arith.constant 0 : i32
    %c0_i32_0 = arith.constant 0 : i32
    return %arg0, %c0_i32 : i32, i32
  }
  func.func @transform_1(%arg0: i32) -> (i32, i32) {
    %c0_i32 = arith.constant 0 : i32
    %c0_i32_0 = arith.constant 0 : i32
    %c0_i32_1 = arith.constant 0 : i32
    return %c0_i32, %c0_i32_0 : i32, i32
  }
  func.func @transform_2(%arg0: i32) -> (i32, i32) {
    %c0_i32 = arith.constant 0 : i32
    %c0_i32_0 = arith.constant 0 : i32
    %c0_i32_1 = arith.constant 0 : i32
    return %c0_i32, %c0_i32_0 : i32, i32
  }
  func.func @transform_3(%arg0: i32) -> (i32, i32) {
    %c0_i32 = arith.constant 0 : i32
    %c0_i32_0 = arith.constant 0 : i32
    %c0_i32_1 = arith.constant 0 : i32
    return %c0_i32, %c0_i32_0 : i32, i32
  }
  func.func @transform_4(%arg0: i32) -> (i32, i32) {
    %c0_i32 = arith.constant 0 : i32
    %c0_i32_0 = arith.constant 0 : i32
    return %arg0, %c0_i32 : i32, i32
  }
  func.func @transform_5(%arg0: i32) -> (i32, i32) {
    %c0_i32 = arith.constant 0 : i32
    %c0_i32_0 = arith.constant 0 : i32
    %c0_i32_1 = arith.constant 0 : i32
    return %c0_i32, %c0_i32_0 : i32, i32
  }
  func.func @transform_6(%arg0: i32) -> (i32, i32) {
    %c0_i32 = arith.constant 0 : i32
    %c0_i32_0 = arith.constant 0 : i32
    %c0_i32_1 = arith.constant 0 : i32
    return %c0_i32, %c0_i32_0 : i32, i32
  }
  func.func @transform_7(%arg0: i32) -> (i32, i32) {
    %c0_i32 = arith.constant 0 : i32
    %c0_i32_0 = arith.constant 0 : i32
    %c0_i32_1 = arith.constant 0 : i32
    return %c0_i32, %c0_i32_0 : i32, i32
  }
  func.func @transform_8(%arg0: i32) -> (i32, i32) {
    %c0_i32 = arith.constant 0 : i32
    %c0_i32_0 = arith.constant 0 : i32
    return %arg0, %c0_i32 : i32, i32
  }
  func.func @transform_9(%arg0: i32) -> (i32, i32) {
    %c0_i32 = arith.constant 0 : i32
    %c0_i32_0 = arith.constant 0 : i32
    %c0_i32_1 = arith.constant 0 : i32
    return %c0_i32, %c0_i32_0 : i32, i32
  }
  func.func @transform_10(%arg0: i32) -> (i32, i32) {
    %c0_i32 = arith.constant 0 : i32
    %c0_i32_0 = arith.constant 0 : i32
    %c0_i32_1 = arith.constant 0 : i32
    return %c0_i32, %c0_i32_0 : i32, i32
  }
  func.func @transform_11(%arg0: i32) -> (i32, i32) {
    %c0_i32 = arith.constant 0 : i32
    %c0_i32_0 = arith.constant 0 : i32
    %c0_i32_1 = arith.constant 0 : i32
    return %c0_i32, %c0_i32_0 : i32, i32
  }
  func.func @transform_12(%arg0: i32) -> (i32, i32, i32) {
    %c0_i32 = arith.constant 0 : i32
    %c0_i32_0 = arith.constant 0 : i32
    %c0_i32_1 = arith.constant 0 : i32
    %c0_i32_2 = arith.constant 0 : i32
    return %c0_i32, %c0_i32_0, %c0_i32_1 : i32, i32, i32
  }
  func.func @transform_13(%arg0: i32) -> (i32, i32) {
    %c0_i32 = arith.constant 0 : i32
    %c0_i32_0 = arith.constant 0 : i32
    %c0_i32_1 = arith.constant 0 : i32
    return %c0_i32, %c0_i32_0 : i32, i32
  }
  func.func @transform_14(%arg0: i32) -> (i32, i32) {
    %c0_i32 = arith.constant 0 : i32
    %c0_i32_0 = arith.constant 0 : i32
    return %arg0, %c0_i32 : i32, i32
  }
  func.func @transform_15(%arg0: i32) -> (i32, i32) {
    %c0_i32 = arith.constant 0 : i32
    %c0_i32_0 = arith.constant 0 : i32
    %c0_i32_1 = arith.constant 0 : i32
    return %c0_i32, %c0_i32_0 : i32, i32
  }
}

module attributes {stable_mosaic.version = 14 : i64} {
  func.func @_p6_body(%arg0: i32, %arg1: memref<512x128xf32, #tpu.memory_space<vmem>>, %arg2: memref<8x128xf32, #tpu.memory_space<vmem>>, %arg3: memref<1x128xf32, #tpu.memory_space<vmem>>, %arg4: memref<1x128xf32, #tpu.memory_space<vmem>>, %arg5: memref<512x128xf32, #tpu.memory_space<vmem>>) attributes {dimension_semantics = [#tpu.dimension_semantics<arbitrary>], iteration_bounds = array<i64: 8>, scalar_prefetch = 0 : i64, scratch_operands = 0 : i64, tpu.core_type = #tpu.core_type<tc>, window_params = [{transform_indices = @transform_0, window_bounds = array<i64: 512, 128>}, {pipeline_mode = #tpu.pipeline_mode<synchronous>, transform_indices = @transform_1, window_bounds = array<i64: 8, 128>}, {pipeline_mode = #tpu.pipeline_mode<synchronous>, transform_indices = @transform_2, window_bounds = array<i64: 1, 128>}, {pipeline_mode = #tpu.pipeline_mode<synchronous>, transform_indices = @transform_3, window_bounds = array<i64: 1, 128>}, {transform_indices = @transform_4, window_bounds = array<i64: 512, 128>}]} {
    %get3A = arith.constant 0 : index
    %get3A_0 = arith.constant 0 : index
    %get3A_1 = vector.load %arg1[%get3A, %get3A_0] : memref<512x128xf32, #tpu.memory_space<vmem>>, vector<512x128xf32>
    %get3A_2 = arith.constant 0 : index
    %get3A_3 = arith.constant 0 : index
    %get3A_4 = vector.load %arg2[%get3A_2, %get3A_3] : memref<8x128xf32, #tpu.memory_space<vmem>>, vector<1x128xf32>
    %mul3A = arith.constant 2.44140625E-4 : f32
    %mul3A_5 = vector.broadcast %mul3A : f32 to vector<1x128xf32>
    %mul3A_6 = arith.mulf %get3A_4, %mul3A_5 : vector<1x128xf32>
    %get3A_7 = arith.constant 1 : index
    %get3A_8 = arith.constant 0 : index
    %get3A_9 = vector.load %arg2[%get3A_7, %get3A_8] : memref<8x128xf32, #tpu.memory_space<vmem>>, vector<1x128xf32>
    %mul3A_10 = arith.constant 2.44140625E-4 : f32
    %mul3A_11 = vector.broadcast %mul3A_10 : f32 to vector<1x128xf32>
    %mul3A_12 = arith.mulf %get3A_9, %mul3A_11 : vector<1x128xf32>
    %mul3A_13 = arith.mulf %mul3A_6, %mul3A_6 : vector<1x128xf32>
    %sub3A = arith.subf %mul3A_12, %mul3A_13 : vector<1x128xf32>
    %get3A_14 = arith.constant 0 : index
    %get3A_15 = arith.constant 0 : index
    %get3A_16 = vector.load %arg3[%get3A_14, %get3A_15] : memref<1x128xf32, #tpu.memory_space<vmem>>, vector<1x128xf32>
    %add3A = arith.constant 9.99999974E-6 : f32
    %add3A_17 = vector.broadcast %add3A : f32 to vector<1x128xf32>
    %add3A_18 = arith.addf %sub3A, %add3A_17 : vector<1x128xf32>
    %sqrt3A = math.sqrt %add3A_18 : vector<1x128xf32>
    %div3A = arith.divf %get3A_16, %sqrt3A : vector<1x128xf32>
    %get3A_19 = arith.constant 0 : index
    %get3A_20 = arith.constant 0 : index
    %get3A_21 = vector.load %arg4[%get3A_19, %get3A_20] : memref<1x128xf32, #tpu.memory_space<vmem>>, vector<1x128xf32>
    %mul3A_22 = arith.mulf %mul3A_6, %div3A : vector<1x128xf32>
    %sub3A_23 = arith.subf %get3A_21, %mul3A_22 : vector<1x128xf32>
    %mul3A_24 = vector.broadcast %div3A : vector<1x128xf32> to vector<512x128xf32>
    %mul3A_25 = arith.mulf %get3A_1, %mul3A_24 : vector<512x128xf32>
    %add3A_26 = vector.broadcast %sub3A_23 : vector<1x128xf32> to vector<512x128xf32>
    %add3A_27 = arith.addf %mul3A_25, %add3A_26 : vector<512x128xf32>
    %max3A = arith.constant 0.000000e+00 : f32
    %max3A_28 = vector.broadcast %max3A : f32 to vector<512x128xf32>
    %max3A_29 = arith.maximumf %add3A_27, %max3A_28 : vector<512x128xf32>
    %swap3A = arith.constant 0 : index
    %swap3A_30 = arith.constant 0 : index
    %swap3A_31 = vector.load %arg5[%swap3A, %swap3A_30] : memref<512x128xf32, #tpu.memory_space<vmem>>, vector<512x128xf32>
    tpu.vector_store %arg5[%swap3A, %swap3A_30], %max3A_29 {strides = array<i32>} : memref<512x128xf32, #tpu.memory_space<vmem>>, vector<512x128xf32>,
    return
  }
  func.func @transform_0(%arg0: i32) -> (i32, i32) {
    %c0_i32 = arith.constant 0 : i32
    %c0_i32_0 = arith.constant 0 : i32
    return %arg0, %c0_i32 : i32, i32
  }
  func.func @transform_1(%arg0: i32) -> (i32, i32) {
    %c0_i32 = arith.constant 0 : i32
    %c0_i32_0 = arith.constant 0 : i32
    %c0_i32_1 = arith.constant 0 : i32
    return %c0_i32, %c0_i32_0 : i32, i32
  }
  func.func @transform_2(%arg0: i32) -> (i32, i32) {
    %c0_i32 = arith.constant 0 : i32
    %c0_i32_0 = arith.constant 0 : i32
    %c0_i32_1 = arith.constant 0 : i32
    return %c0_i32, %c0_i32_0 : i32, i32
  }
  func.func @transform_3(%arg0: i32) -> (i32, i32) {
    %c0_i32 = arith.constant 0 : i32
    %c0_i32_0 = arith.constant 0 : i32
    %c0_i32_1 = arith.constant 0 : i32
    return %c0_i32, %c0_i32_0 : i32, i32
  }
  func.func @transform_4(%arg0: i32) -> (i32, i32) {
    %c0_i32 = arith.constant 0 : i32
    %c0_i32_0 = arith.constant 0 : i32
    return %arg0, %c0_i32 : i32, i32
  }
}

</mosaic_0001>

<sc_bundles>
// kernel: kernel.13.cloned.1.call-start
scs
__scs_entry_jumppad:
0x0: {  	(pc) =	sbr.rel $0x88, $3  }
0x1: {  	(tag) =	ssettag $0x0;
	lr =	simm.s32 $0x1  }
0x2: {  	[smem:$0x3F80] =	sst lr;
	_ =	strace $0xD0000000  }
0x3: {  	_ = 	snop  }
0x4: {  	_ = 	snop  }
0x5: {  	_ = 	snop  }
0x6: {  	_ = 	snop  }
0x7: {  	_ = 	snop  }
__scs_overlays_trampoline_lowered:
0x8: {  	[smem:$0x3F8F] =	sst s0  }
0x9: {  	[smem:$0x3F90] =	sst s1  }
0xa: {  	[smem:$0x3F91] =	sst s2  }
0xb: {  	[smem:$0x3F92] =	sst s3  }
0xc: {  	[smem:$0x3F93] =	sst s4  }
0xd: {  	[smem:$0x3F94] =	sst s5  }
0xe: {  	[smem:$0x3F95] =	sst s6  }
0xf: {  	[smem:$0x3F96] =	sst s7  }
0x10: {  	[smem:$0x3F97] =	sst s8  }
0x11: {  	[smem:$0x3F98] =	sst s9;
	s0 =	simm.s32 @!p0 $0x0  }
0x12: {  	s1 =	sld [smem:$0x3F7E];
	s0 =	simm.s32 @p0 $0x1  }
0x13: {  	[smem:$0x3F99] =	sst s0;
	s0 =	simm.s32 @!p1 $0x0  }
0x14: {  	s2 =	sld [smem:$0x3F7D];
	s0 =	simm.s32 @p1 $0x1  }
0x15: {  	[smem:$0x3F9A] =	sst s0;
	s0 =	simm.s32 @!p2 $0x0  }
0x16: {  	s3 =	sld [smem:$0x3FDB];
	s0 =	simm.s32 @p2 $0x1  }
0x17: {  	s4 =	simm.s32 $0x1BF5;
	[smem:$0x3F9C] =	sst s0  }
0x18: {  	s0 =	sld [smem:$0x3F7F];
	_ =	swait.ge [sflag:s4], $0x0  }
0x19: {  	s7 =	sld [smem:$0x3F80]  }
0x1a: {  	s8 =	sadd.s32 $0xFFFFE003, lr  }
0x1b: {  	s9 =	sadd.s32 $0xFFFFFEF7, lr;
	s5 =	simm.s32 $0xFFFFFFFF;
	p2 =	slt.u32 s8, $0xFFFFF086  }
0x1c: {  	p1 =	slt.u32 s9, $0xF7A;
	s5 =	simm.s32 @!p2 $0x0  }
0x1d: {  	s5 =	simm.s32 @p1 $0x1;
	p0 =	seq.s32 s7, s2  }
0x1e: {  	s7 =	smul.u32 @!p0 $0xF7A, s2;
	p2 =	seq.s32 @!p0 s5, $0x0  }
0x1f: {  	s9 =	smul.u32 $0xF7A, s1;
	s8 =	simm.s32 @!p0 $0x1BF5;
	p2 =	por !p2, p0  }
0x20: {  	[sflag:s8] =	ssyncset.s32 @!p0 $0xFFFFF086;
	s6 =	sadd.s32 @!p0 s3, s7;
	s7 =	simm.s32 @!p0 $0x108  }
0x21: {  	s3 =	sadd.s32 s3, s9;
	s6 =	sadd.s32 @!p0 $0x88, s6;
	s7 =	simm.s32 @p2 $0x1082  }
0x22: {  	[simem:s7], [sflag:s8] =	dma.local @!p0 [hbm:s6], $0xF7A  }
0x23: {  	s9 =	sor.u32 $0xD0000000, s2;
	s6 =	simm.s32 $0x108;
	_ =	swait.ge @!p0 [sflag:s8], $0x0  }
0x24: {  	s3 =	sadd.s32 $0x88, s3;
	s6 =	simm.s32 @!p1 $0x1082;
	[sflag:s4] =	ssyncset.s32 $0xFFFFF086  }
0x25: {  	[simem:s6], [sflag:s4] =	dma.local [hbm:s3], $0xF7A  }
0x26: {  	[smem:$0x3F80] =	sst s1;
	(tag) =	ssettag s2;
	_ =	strace s9  }
0x27: {  	s1 =	sld [smem:$0x3F90]  }
0x28: {  	s2 =	sld [smem:$0x3F91]  }
0x29: {  	s4 =	sld [smem:$0x3F93]  }
0x2a: {  	p0 =	seq.s32 s5, $0x0;
	s5 =	sld [smem:$0x3F94]  }
0x2b: {  	s6 =	sld [smem:$0x3F95]  }
0x2c: {  	s7 =	sld [smem:$0x3F96]  }
0x2d: {  	s3 =	simm.s32 $0x108;
	s8 =	sld [smem:$0x3F97]  }
0x2e: {  	s3 =	simm.s32 @!p0 $0x1082;
	s9 =	sld [smem:$0x3F98]  }
0x2f: {  	lr =	sadd.s32 s0, s3;
	s0 =	sld [smem:$0x3F8F]  }
0x30: {  	s3 =	sld [smem:$0x3F92]  }
0x31: {  	[smem:$0x3F9B] =	sst s10  }
0x32: {  	s10 =	sld [smem:$0x3F99];
	_ =	sdelay $0x3  }
0x33: {  	p0 =	seq.s32 s10, $0x1;
	s10 =	sld [smem:$0x3F9B];
	_ =	sdelay $0x3  }
0x34: {  	[smem:$0x3F9B] =	sst s10  }
0x35: {  	s10 =	sld [smem:$0x3F9A];
	_ =	sdelay $0x3  }
0x36: {  	p1 =	seq.s32 s10, $0x1;
	s10 =	sld [smem:$0x3F9B];
	_ =	sdelay $0x3  }
0x37: {  	[smem:$0x3F9B] =	sst s10  }
0x38: {  	s10 =	sld [smem:$0x3F9C]  }
0x39: {  	_ = 	snop;
	(pc) =	sbr.ind lr, $3  }
0x3a: {  	_ = 	snop  }
0x3b: {  	_ = 	snop  }
0x3c: {  	p2 =	seq.s32 s10, $0x1;
	s10 =	sld [smem:$0x3F9B]  }
0x3d: {  	_ =	shalt  }
0x3e: {  	_ =	shalt  }
0x3f: {  	_ =	shalt  }
0x40: {  	_ =	shalt  }
0x41: {  	_ =	shalt  }
0x42: {  	_ =	shalt  }
0x43: {  	_ =	shalt  }
0x44: {  	_ =	shalt  }
0x45: {  	_ =	shalt  }
0x46: {  	_ =	shalt  }
0x47: {  	_ =	shalt  }
0x48: {  	_ =	shalt  }
0x49: {  	_ =	shalt  }
0x4a: {  	_ =	shalt  }
0x4b: {  	_ =	shalt  }
0x4c: {  	_ =	shalt  }
0x4d: {  	_ =	shalt  }
0x4e: {  	_ =	shalt  }
0x4f: {  	_ =	shalt  }
0x50: {  	_ =	shalt  }
0x51: {  	_ =	shalt  }
0x52: {  	_ =	shalt  }
0x53: {  	_ =	shalt  }
0x54: {  	_ =	shalt  }
0x55: {  	_ =	shalt  }
0x56: {  	_ =	shalt  }
0x57: {  	_ =	shalt  }
0x58: {  	_ =	shalt  }
0x59: {  	_ =	shalt  }
0x5a: {  	_ =	shalt  }
0x5b: {  	_ =	shalt  }
0x5c: {  	_ =	shalt  }
0x5d: {  	_ =	shalt  }
0x5e: {  	_ =	shalt  }
0x5f: {  	_ =	shalt  }
0x60: {  	_ =	shalt  }
0x61: {  	_ =	shalt  }
0x62: {  	_ =	shalt  }
0x63: {  	_ =	shalt  }
0x64: {  	_ =	shalt  }
0x65: {  	_ =	shalt  }
0x66: {  	_ =	shalt  }
0x67: {  	_ =	shalt  }
0x68: {  	_ =	shalt  }
0x69: {  	_ =	shalt  }
0x6a: {  	_ =	shalt  }
0x6b: {  	_ =	shalt  }
0x6c: {  	_ =	shalt  }
0x6d: {  	_ =	shalt  }
0x6e: {  	_ =	shalt  }
0x6f: {  	_ =	shalt  }
0x70: {  	_ =	shalt  }
0x71: {  	_ =	shalt  }
0x72: {  	_ =	shalt  }
0x73: {  	_ =	shalt  }
0x74: {  	_ =	shalt  }
0x75: {  	_ =	shalt  }
0x76: {  	_ =	shalt  }
0x77: {  	_ =	shalt  }
0x78: {  	_ =	shalt  }
0x79: {  	_ =	shalt  }
0x7a: {  	_ =	shalt  }
0x7b: {  	_ =	shalt  }
0x7c: {  	_ =	shalt  }
0x7d: {  	_ =	shalt  }
0x7e: {  	_ =	shalt  }
0x7f: {  	_ =	shalt  }
0x80: {  	_ =	shalt  }
0x81: {  	_ =	shalt  }
0x82: {  	_ =	shalt  }
0x83: {  	_ =	shalt  }
0x84: {  	_ =	shalt  }
0x85: {  	_ =	shalt  }
0x86: {  	_ =	shalt  }
0x87: {  	_ =	shalt  }
.Lfunc_end0:
.L_simem_size_0:
called_computation_lowered:
.L_overlay_start_0:
0x88: {  	s2 =	sld [smem:$0x3FD9]  }
0x89: {  	s3 =	sld [smem:$0x3FFE];
	_ =	sdelay $0x1  }
0x8a: {  	s1 =	srdreg.scid  }
0x8b: {  	s0 =	sand.u32 $0x1, s1  }
0x8c: {  	s16 =	sshll.u32 s0, $0xA;
	s2 =	sadd.s32 s3, s2  }
0x8d: {  	s2 =	sadd.s32 s2, s16  }
0x8e: {  	[smem:$0x3FA7] =	sst s2  }
0x8f: {  	_ = 	snop  }
0x90: {  	(tm) =	ssettm $0x1  }
0x91: {  	s17 =	sld [smem:$0x3FFB];
	_ =	sdelay $0x3  }
0x92: {  	_ =	strace s17  }
0x93: {  	s2 =	sld [smem:$0x3FFC];
	_ =	sdelay $0x3  }
0x94: {  	_ =	strace s2  }
0x95: {  	s2 =	sld [smem:$0x3FFD];
	_ =	sdelay $0x3  }
0x96: {  	_ =	strace s2  }
0x97: {  	_ =	strace $0x8FFFFFFF  }
0x98: {  	s18 =	sld [smem:$0x3FDB];
	_ =	sdelay $0x1  }
0x99: {  	s19 =	simm.s32 $_scs_section_size  }
0x9a: {  	s4 =	simm.s32 $_size__tile_overlayer_lowered;
	s5 =	simm.s32 $_tile_overlayer_lowered  }
0x9b: {  	s22 =	simm.s32 $0x1BFF;
	s21 =	sshll.u32 s5, $0x1;
	s2 =	sadd.s32 s19, s18  }
0x9c: {  	s6 =	simm.s32 $0x0;
	s20 =	sshll.u32 s4, $0x1;
	s4 =	sadd.s32 s21, s2  }
0x9d: {  	[timem:s6], [sflag:s22] =	dma.local [hbm:s4], s20  }
0x9e: {  	_ =	swait.ge [sflag:s22], s20  }
0x9f: {  	s3 =	ssub.s32 $0x0, s20;
	[sflag:s22] =	ssyncset.done $0x0  }
0xa0: {  	[sflag:s22] =	ssyncadd.s32 s3;
	_ =	sdelay $0x1  }
0xa1: {  	s23 =	simm.s32 $0x1B8B  }
0xa2: {  	_ =	swait.ge [sflag:s23], $0x1  }
0xa3: {  	[sflag:s23] =	ssyncset.done $0x0  }
0xa4: {  	s25 =	simm.s32 $0x1B8E;
	s24 =	sld [smem:$0x3FFE];
	[sflag:s23] =	ssyncadd.s32 $0xFFFFFFFF  }
0xa5: {  	s26 =	simm.s32 $execute0_lowered;
	[smem:$0x3FD2] =	sst s25  }
0xa6: {  	s4 =	sshll.u32 s26, $0x1;
	_ =	strace $0x80000046;
	[dreg:$0x1] =	wrdreg $0xFFFFFFFF  }
0xa7: {  	s28 =	simm.s32 $_size_execute0_lowered;
	s2 =	sadd.s32 s2, s4;
	[dreg:$0x0] =	wrdreg $0x0  }
0xa8: {  	s4 =	sshll.u32 s28, $0x1;
	[dreg:$0x2] =	wrdreg s2  }
0xa9: {  	[dreg:$0x3] =	wrdreg s4  }
0xaa: {  	[dreg:$0x4] =	wrdreg $0xC0  }
0xab: {  	_ =	task [dreg:s6], $0x5FFFF  }
0xac: {  	[dreg:$0x1] =	wrdreg $0xFFFFFFFF  }
0xad: {  	[dreg:$0x0] =	wrdreg $0x60  }
0xae: {  	[dreg:$0x2] =	wrdreg s24  }
0xaf: {  	[dreg:$0x3] =	wrdreg $0x9  }
0xb0: {  	_ =	task.clear_ibuf [dreg:s6], $0x4FFFF;
	_ =	strace $0x90000046  }
0xb1: {  	s29 =	simm.s32 $0x9;
	_ =	strace $0x80000048  }
0xb2: {  	_ =	swait.ge [sflag:s29], $0x1  }
0xb3: {  	[sflag:s29] =	ssyncadd.s32 $0xFFFFFFFF  }
0xb4: {  	_ =	strace $0x90000048  }
0xb5: {  	_ =	sfence  }
0xb6: {  	s30 =	sld [smem:$0x0];
	_ =	sdelay $0x2  }
0xb7: {  	s31 =	sshll.u32 s1, $0xD;
	s1 =	sshrl.u32 s1, $0x2  }
0xb8: {  	s3 =	sand.u32 $0x4000, s31;
	s1 =	sadd.s32 s1, s30  }
0xb9: {  	s0 =	sor.u32 s3, s0;
	s1 =	sshll.u32 s1, $0x11  }
0xba: {  	s0 =	sor.u32 s1, s0  }
0xbb: {  	s0 =	sadd.s32 $0x8F2B, s0  }
0xbc: {  	[sflag:s0] =	ssyncadd.remote.s32 $0x1  }
0xbd: {  	_ =	sfence.sel $0xFFFF  }
0xbe: {  	[dreg:$0x0] =	wrdreg $0xFFFFFFFF;
	(pc) =	sbr.abs _section_cstart, $3  }
0xbf: {  	[dreg:$0x1] =	wrdreg $0xFFFFFFFF  }
0xc0: {  	_ =	task.clear_ibuf [dreg:s6], $0x2FFFF;
	_ =	strace $0x9FFFFFFF  }
0xc1: {  	(tm) =	ssettm $0x7FFFFFFF  }
tec
execute0_lowered:
.L_overlay_start_1:
0x0: {  	(tag) =	ssettag $0x1  }
0x1: {  	s4 =	rddreg [dreg:$0x0]  }
0x2: {  	s0 =	rddreg [dreg:$0x1];
	s2 =	simm.s32 $0x0;
	s5 =	srdreg.scid  }
0x3: {  	s1 =	stileid.u32;
	s10 =	simm.s32 $0x0;
	[smem:$0x7FF] =	sst s2  }
0x4: {  	s3 =	sadd.s32 $0x8E00, s4;
	s5 =	sand.u32 $0x1, s5;
	s6 =	sshll.u32 s1, $0xD  }
0x5: {  	s8 =	smul.u32 $0x14000, s1;
	_ =	strace $0x80000047;
	s7 =	sshll.u32 s5, $0xC  }
0x6: {  	s9 =	ssub.s32 $0x2, s5;
	s5 =	smul.u32 $0xA000, s5;
	s6 =	sor.u32 s7, s6  }
0x7: {  	s30 =	sshrl.u32 s9, $0x1;
	s8 =	sadd.s32 s8, s4;
	s6 =	sshrl.u32 s6, $0x3  }
0x8: {  	s7 =	ssub.s32 s9, s30;
	s31 =	sadd.s32 s5, s8;
	s8 =	simm.s32 $0x80  }
0x9: {  	s9 =	simm.s32 $0x1;
	s6 =	sadd.s32 s6, s4;
	s4 =	smax.u32 s7, $0x1  }
0xa: {  	s7 =	simm.s32 $0x2;
	s5 =	sadd.s32 $0x4E00, s6;
	s6 =	sadd.s32 $0x30E00, s31  }
.LBB2_1:
0xb: {  	s11 =	sadd.s32 $0x0, s5  }
0xc: {  	[tilespmem:s2], [sflag:$0x2] =	stream.linear.gather [hbm4b:s11+s2], $0x80, $0x38;
	[tilespmem:$0x2880] =	vst v63  }
0xd: {  	_ =	swait.ge [sflag:s7], $0x80  }
0xe: {  	[sflag:s7] =	ssyncset.done $0x0  }
0xf: {  	[sflag:s7] =	ssyncadd.s32 $0xFFFFFF80  }
0x10: {  	[tilespmem:s8], [sflag:$0x1] =	stream.indirect.gather [hbm4b:s3+s8], $0x50, s2, s8, $0xb8;
	[tilespmem:$0x2880] =	vst v63  }
0x11: {  	_ =	swait.ge [sflag:s9], $0x2800  }
0x12: {  	[sflag:s9] =	ssyncset.done $0x0  }
0x13: {  	[sflag:s9] =	ssyncadd.s32 $0xFFFFD800  }
0x14: {  	[hbm4b:s6+s2] =	stream.linear.scatter [tilespmem:s8], [sflag:$0x2], $0x2800, $0x38;
	[tilespmem:$0x2880] =	vst v63  }
0x15: {  	s12 =	simm.s32 $0x10;
	_ =	swait.ge [sflag:s7], $0x2800  }
0x16: {  	s13 =	simm.s32 $0x20;
	s11 =	sadd.s32 $0x500, s6;
	[sflag:s7] =	ssyncset.done $0x0  }
.LBB2_2:
0x17: {  	s14 =	sadd.s32 s12, s5  }
0x18: {  	[sflag:s7] =	ssyncadd.s32 $0xFFFFD800;
	s12 =	smov.u32 s13;
	s15 =	sadd.s32 $0x10, s13  }
0x19: {  	[tilespmem:s2], [sflag:$0x2] =	stream.linear.gather [hbm4b:s14+s2], $0x80, $0x38;
	[tilespmem:$0x2880] =	vst v63  }
0x1a: {  	p0 =	sne.s32 s13, $0x1F0;
	_ =	swait.ge [sflag:s7], $0x80  }
0x1b: {  	[sflag:s7] =	ssyncset.done $0x0  }
0x1c: {  	[sflag:s7] =	ssyncadd.s32 $0xFFFFFF80  }
0x1d: {  	[tilespmem:s8], [sflag:$0x1] =	stream.indirect.gather [hbm4b:s3+s8], $0x50, s2, s8, $0xb8;
	[tilespmem:$0x2880] =	vst v63  }
0x1e: {  	_ =	swait.ge [sflag:s9], $0x2800  }
.Ltmp0:
0x1f: {  	[sflag:s9] =	ssyncset.done $0x0;
	(pc) =	sbr.rel @p0 .LBB2_2-.Ltmp0, $4  }
0x20: {  	[sflag:s9] =	ssyncadd.s32 $0xFFFFD800  }
0x21: {  	[hbm4b:s11+s2] =	stream.linear.scatter [tilespmem:s8], [sflag:$0x2], $0x2800, $0x38;
	[tilespmem:$0x2880] =	vst v63  }
0x22: {  	_ =	swait.ge [sflag:s7], $0x2800  }
0x23: {  	s13 =	smov.u32 s15;
	s11 =	sadd.s32 $0x500, s11;
	[sflag:s7] =	ssyncset.done $0x0  }
0x24: {  	s12 =	sadd.s32 s12, s5;
	[sflag:s7] =	ssyncadd.s32 $0xFFFFD800  }
0x25: {  	[tilespmem:s2], [sflag:$0x2] =	stream.linear.gather [hbm4b:s12+s2], $0x80, $0x38;
	[tilespmem:$0x2880] =	vst v63  }
0x26: {  	_ =	swait.ge [sflag:s7], $0x80  }
0x27: {  	[sflag:s7] =	ssyncset.done $0x0  }
0x28: {  	[sflag:s7] =	ssyncadd.s32 $0xFFFFFF80  }
0x29: {  	[tilespmem:s8], [sflag:$0x1] =	stream.indirect.gather [hbm4b:s3+s8], $0x50, s2, s8, $0xb8;
	[tilespmem:$0x2880] =	vst v63  }
0x2a: {  	s10 =	sadd.s32 $0x1, s10;
	_ =	swait.ge [sflag:s9], $0x2800  }
0x2b: {  	p0 =	sne.s32 s10, s4;
	[sflag:s9] =	ssyncset.done $0x0  }
.Ltmp1:
0x2c: {  	[sflag:s9] =	ssyncadd.s32 $0xFFFFD800;
	(pc) =	sbr.rel @p0 .LBB2_1-.Ltmp1, $4  }
0x2d: {  	[hbm4b:s11+s2] =	stream.linear.scatter [tilespmem:s8], [sflag:$0x2], $0x2800, $0x38;
	[tilespmem:$0x2880] =	vst v63  }
0x2e: {  	_ =	swait.ge [sflag:s7], $0x2800  }
0x2f: {  	[sflag:s7] =	ssyncset.done $0x0  }
0x30: {  	[sflag:s7] =	ssyncadd.s32 $0xFFFFD800  }
0x31: {  	_ =	sfence.sel $0x180000  }
0x32: {  	[bflag:$0x0] =	sbarrier.arrive $0xFFFF  }
0x33: {  	p0 =	sne.s32 s1, $0x0;
	_ =	strace $0x90000047  }
0x34: {  	s0 =	sadd.s32 @!p0 $0x100000, s0;
	[bflag:$0x2] =	sbarrier.arrive $0xFFFF  }
0x35: {  	[sflag:s0] =	ssyncadd.tile.s32 @!p0 $0x1;
	_ =	shalt  }
.Lfunc_end2:
_tile_overlayer_lowered:
.L_overlay_start_2:
0x36: {  	(tag) =	ssettag $0x2  }
0x37: {  	s0 =	rddreg [dreg:$0x0];
	s2 =	stileid.u32  }
0x38: {  	s1 =	rddreg [dreg:$0x1];
	p0 =	sne.s32 s2, $0x0  }
0x39: {  	s3 =	rddreg [dreg:$0x2];
	[bflag:$0x3] =	sbarrier.arrive $0xFFFF;
	s2 =	simm.s32 @!p0 $0x1C02  }
0x3a: {  	[timem:s3], [sflag:s2] =	dma.local @!p0 [hbm:s0], s1  }
0x3b: {  	s0 =	simm.s32 @!p0 $0x2  }
0x3c: {  	_ =	swait.ge @!p0 [sflag:s0], s1  }
0x3d: {  	s1 =	ssub.s32 @!p0 $0x0, s1;
	[sflag:s0] =	ssyncset.done @!p0 $0x0  }
0x3e: {  	[sflag:s0] =	ssyncadd.s32 @!p0 s1  }
0x3f: {  	[bflag:$0x3] =	sbarrier.arrive $0xFFFF  }
0x40: {  	_ =	shalt  }

</sc_bundles>
